<compile_context>
chip_gen: v7x
topology: tpu7x:2x2x1
jax: 0.10.2.dev20260603
libtpu: 0.0.44.dev20260713+nightly
codegen_flags: <defaults>
</compile_context>

<pallas_src>
import jax
import jax.numpy as jnp
from jax import lax
from jax.experimental import pallas as pl
from jax.experimental.pallas import tpu as pltpu
from jax.experimental.pallas import tpu_sc as plsc

BATCH = 4096
HIST = 50
DIM = 128

NC = 2
NS = 16
NW = NC * NS

TOTAL = BATCH * HIST
CHUNK = 128
N_CHUNKS = HIST
NBUF = 5


def _emb_kernel(idx_hbm, table_hbm, out_hbm, idx_v, rows_v, gsems, osems):
    wid = lax.axis_index("s") * NC + lax.axis_index("c")
    base = wid * CHUNK

    pltpu.sync_copy(idx_hbm.at[pl.ds(0, HIST), pl.ds(wid * CHUNK, CHUNK)],
                    idx_v)

    for b in range(NBUF):
        pltpu.async_copy(table_hbm.at[idx_v.at[b]], rows_v.at[b], gsems.at[b])

    @pl.loop(0, N_CHUNKS, step=NBUF)
    def _group(g):
        for b in range(NBUF):
            j = g + b
            pltpu.make_async_copy(table_hbm.at[idx_v.at[0]], rows_v.at[b],
                                  gsems.at[b]).wait()
            pltpu.async_copy(rows_v.at[b],
                             out_hbm.at[pl.ds(j * BATCH + base, CHUNK)],
                             osems.at[b])

            @pl.when(j + NBUF < N_CHUNKS)
            def _():
                pltpu.make_async_copy(rows_v.at[b],
                                      out_hbm.at[pl.ds(0, CHUNK)],
                                      osems.at[b]).wait()
                pltpu.async_copy(table_hbm.at[idx_v.at[j + NBUF]],
                                 rows_v.at[b], gsems.at[b])

    for b in range(NBUF):
        pltpu.make_async_copy(rows_v.at[b], out_hbm.at[pl.ds(0, CHUNK)],
                              osems.at[b]).wait()


@jax.jit
def kernel(token_ids, weight):
    idx = token_ids.astype(jnp.int32).T
    mesh = plsc.VectorSubcoreMesh(core_axis_name="c", subcore_axis_name="s",
                                  num_cores=NC, num_subcores=NS)
    out = pl.kernel(
        _emb_kernel,
        out_type=jax.ShapeDtypeStruct((TOTAL, DIM), jnp.float32),
        mesh=mesh,
        scratch_types=[
            pltpu.VMEM((N_CHUNKS, CHUNK), jnp.int32),
            pltpu.VMEM((NBUF, CHUNK, DIM), jnp.float32),
            pltpu.SemaphoreType.DMA((NBUF,)),
            pltpu.SemaphoreType.DMA((NBUF,)),
        ],
    )(idx, weight)
    return out.reshape(HIST, BATCH, DIM).transpose(1, 0, 2)

# --- scband reference (transcript-rebuilt; emitter-appended) ---
"""Pipeline reference for scband-embedding-45122926412044 (READ-ONLY COPY).

The authoritative reference and input builder live on the scoring server;
editing this copy changes nothing except your own understanding.
"""

import jax, jax.numpy as jnp
import numpy as np

NUM_EMBEDDINGS = 100000
EMBEDDING_DIM = 128
BATCH = 4096
HIST_LEN = 50

def setup_inputs(seed: int = 0) -> dict:
    key = jax.random.key(seed)
    k_idx, k_w = jax.random.split(key)
    token_ids = jax.random.randint(k_idx, (BATCH, HIST_LEN), 0, NUM_EMBEDDINGS, dtype=jnp.int64 if jax.config.jax_enable_x64 else jnp.int32)
    # trunc_normal_(mean=0.0, std=0.02) equivalent: truncated normal in [-2, 2] scaled by std
    weight = jax.random.truncated_normal(k_w, -2.0, 2.0, (NUM_EMBEDDINGS, EMBEDDING_DIM), dtype=jnp.float32) * 0.02
    return {"token_ids": token_ids, "weight": weight}

def reference(token_ids, weight):
    # Embedding.forward: weight[token_ids] -> (..., embedding_dim)
    return jnp.take(weight, token_ids, axis=0)

if __name__ == "__main__":
    import jax
    _d = setup_inputs()
    print(jax.jit(kernel)(*tuple(_d.values())))

</pallas_src>

<mosaic_0001>
#map = affine_map<(d0, d1) -> (0, 0)>
module attributes {stable_mosaic.version = 14 : i64} {
  func.func @_emb_kernel(%arg0: i32, %arg1: i32, %arg2: memref<50x4096xi32, #tpu.memory_space<hbm>>, %arg3: memref<100000x128xf32, #tpu.memory_space<hbm>>, %arg4: memref<204800x128xf32, #tpu.memory_space<hbm>>, %arg5: memref<50x128xi32, #tpu.memory_space<vmem>>, %arg6: memref<5x128x128xf32, #tpu.memory_space<vmem>>, %arg7: memref<5x!tpu.dma_semaphore, #tpu.memory_space<semaphore_mem>>, %arg8: memref<5x!tpu.dma_semaphore, #tpu.memory_space<semaphore_mem>>) attributes {dimension_semantics = [#tpu.dimension_semantics<core_parallel>, #tpu.dimension_semantics<subcore_parallel>], iteration_bounds = array<i64: 2, 16>, scalar_prefetch = 0 : i64, scratch_operands = 4 : i64, tpu.core_type = #tpu.core_type<sc_vector_subcore>, window_params = [{transform_indices = #map}, {transform_indices = #map}, {transform_indices = #map}]} {
    %mul3A = arith.constant 2 : i32
    %mul3A_0 = arith.muli %arg1, %mul3A : i32
    %add3A = arith.addi %mul3A_0, %arg0 : i32
    %mul3A_1 = arith.constant 128 : i32
    %mul3A_2 = arith.muli %add3A, %mul3A_1 : i32
    %mul3A_3 = arith.constant 128 : i32
    %mul3A_4 = arith.muli %add3A, %mul3A_3 : i32
    "tpu.region"() ({
      %run_scoped3A = tpu.sem_alloc : memref<!tpu.dma_semaphore, #tpu.memory_space<semaphore_mem>>
      %dma_start3A_172 = arith.constant 0 : i32
      %dma_start3A_173 = tpu.memref_slice %arg2[%dma_start3A_172, %mul3A_4] : memref<50x4096xi32, #tpu.memory_space<hbm>> -> memref<50x128xi32, #tpu.memory_space<hbm>>
      %dma_start3A_174 = arith.constant 0 : i32
      %dma_start3A_175 = tpu.memref_slice %arg2[%dma_start3A_174, %mul3A_4] : memref<50x4096xi32, #tpu.memory_space<hbm>> -> memref<50x128xi32, #tpu.memory_space<hbm>>
      tpu.enqueue_dma source(%dma_start3A_175 : memref<50x128xi32, #tpu.memory_space<hbm>>) target(%arg5 : memref<50x128xi32, #tpu.memory_space<vmem>>) target_semaphore(%run_scoped3A : memref<!tpu.dma_semaphore, #tpu.memory_space<semaphore_mem>>)
      %dma_wait3A_176 = arith.constant 0 : i32
      %dma_wait3A_177 = tpu.memref_slice %arg2[%dma_wait3A_176, %mul3A_4] : memref<50x4096xi32, #tpu.memory_space<hbm>> -> memref<50x128xi32, #tpu.memory_space<hbm>>
      %dma_wait3A_178 = arith.constant 0 : i32
      %dma_wait3A_179 = tpu.memref_slice %arg2[%dma_wait3A_178, %mul3A_4] : memref<50x4096xi32, #tpu.memory_space<hbm>> -> memref<50x128xi32, #tpu.memory_space<hbm>>
      tpu.wait_dma2 semaphore(%run_scoped3A : memref<!tpu.dma_semaphore, #tpu.memory_space<semaphore_mem>>) src(%dma_wait3A_179 : memref<50x128xi32, #tpu.memory_space<hbm>>) dst(%arg5 : memref<50x128xi32, #tpu.memory_space<vmem>>)
      tpu.yield
    }) : () -> ()
    %dma_start3A = arith.constant 0 : i32
    %dma_start3A_5 = arith.constant 0 : i32
    %dma_start3A_6 = arith.constant 0 : i32
    %dma_start3A_7 = arith.constant 0 : i32
    %dma_start3A_8 = arith.constant 0 : i32
    %dma_start3A_9 = tpu.memref_slice %arg6[%dma_start3A_5, %dma_start3A_7, %dma_start3A_8] : memref<5x128x128xf32, #tpu.memory_space<vmem>> -> memref<1x128x128xf32, #tpu.memory_space<vmem>>
    %dma_start3A_10 = tpu.memref_squeeze %dma_start3A_9 : memref<1x128x128xf32, #tpu.memory_space<vmem>> -> memref<128x128xf32, #tpu.memory_space<vmem>>
    %dma_start3A_11 = arith.constant 0 : i32
    %dma_start3A_12 = tpu.memref_slice %arg5[%dma_start3A, %dma_start3A_11] : memref<50x128xi32, #tpu.memory_space<vmem>> -> memref<1x128xi32, #tpu.memory_space<vmem>>
    %dma_start3A_13 = tpu.memref_squeeze %dma_start3A_12 : memref<1x128xi32, #tpu.memory_space<vmem>> -> memref<128xi32, #tpu.memory_space<vmem>>
    %dma_start3A_14 = arith.constant 0 : i32
    %dma_start3A_15 = arith.constant 0 : i32
    %dma_start3A_16 = tpu.memref_slice %arg3[%dma_start3A_14, %dma_start3A_15] : memref<100000x128xf32, #tpu.memory_space<hbm>> -> memref<100000x128xf32, #tpu.memory_space<hbm>>
    %dma_start3A_17 = tpu.memref_slice %arg7[%dma_start3A_6] : memref<5x!tpu.dma_semaphore, #tpu.memory_space<semaphore_mem>> -> memref<1x!tpu.dma_semaphore, #tpu.memory_space<semaphore_mem>>
    %dma_start3A_18 = tpu.memref_squeeze %dma_start3A_17 : memref<1x!tpu.dma_semaphore, #tpu.memory_space<semaphore_mem>> -> memref<!tpu.dma_semaphore, #tpu.memory_space<semaphore_mem>>
    tpu.enqueue_indirect_dma source(%dma_start3A_16 : memref<100000x128xf32, #tpu.memory_space<hbm>>) target(%dma_start3A_10 : memref<128x128xf32, #tpu.memory_space<vmem>>) offsets(%dma_start3A_13 : memref<128xi32, #tpu.memory_space<vmem>>) semaphore(%dma_start3A_18 : memref<!tpu.dma_semaphore, #tpu.memory_space<semaphore_mem>>)
    %dma_start3A_19 = arith.constant 1 : i32
    %dma_start3A_20 = arith.constant 1 : i32
    %dma_start3A_21 = arith.constant 1 : i32
    %dma_start3A_22 = arith.constant 0 : i32
    %dma_start3A_23 = arith.constant 0 : i32
    %dma_start3A_24 = tpu.memref_slice %arg6[%dma_start3A_20, %dma_start3A_22, %dma_start3A_23] : memref<5x128x128xf32, #tpu.memory_space<vmem>> -> memref<1x128x128xf32, #tpu.memory_space<vmem>>
    %dma_start3A_25 = tpu.memref_squeeze %dma_start3A_24 : memref<1x128x128xf32, #tpu.memory_space<vmem>> -> memref<128x128xf32, #tpu.memory_space<vmem>>
    %dma_start3A_26 = arith.constant 0 : i32
    %dma_start3A_27 = tpu.memref_slice %arg5[%dma_start3A_19, %dma_start3A_26] : memref<50x128xi32, #tpu.memory_space<vmem>> -> memref<1x128xi32, #tpu.memory_space<vmem>>
    %dma_start3A_28 = tpu.memref_squeeze %dma_start3A_27 : memref<1x128xi32, #tpu.memory_space<vmem>> -> memref<128xi32, #tpu.memory_space<vmem>>
    %dma_start3A_29 = arith.constant 0 : i32
    %dma_start3A_30 = arith.constant 0 : i32
    %dma_start3A_31 = tpu.memref_slice %arg3[%dma_start3A_29, %dma_start3A_30] : memref<100000x128xf32, #tpu.memory_space<hbm>> -> memref<100000x128xf32, #tpu.memory_space<hbm>>
    %dma_start3A_32 = tpu.memref_slice %arg7[%dma_start3A_21] : memref<5x!tpu.dma_semaphore, #tpu.memory_space<semaphore_mem>> -> memref<1x!tpu.dma_semaphore, #tpu.memory_space<semaphore_mem>>
    %dma_start3A_33 = tpu.memref_squeeze %dma_start3A_32 : memref<1x!tpu.dma_semaphore, #tpu.memory_space<semaphore_mem>> -> memref<!tpu.dma_semaphore, #tpu.memory_space<semaphore_mem>>
    tpu.enqueue_indirect_dma source(%dma_start3A_31 : memref<100000x128xf32, #tpu.memory_space<hbm>>) target(%dma_start3A_25 : memref<128x128xf32, #tpu.memory_space<vmem>>) offsets(%dma_start3A_28 : memref<128xi32, #tpu.memory_space<vmem>>) semaphore(%dma_start3A_33 : memref<!tpu.dma_semaphore, #tpu.memory_space<semaphore_mem>>)
    %dma_start3A_34 = arith.constant 2 : i32
    %dma_start3A_35 = arith.constant 2 : i32
    %dma_start3A_36 = arith.constant 2 : i32
    %dma_start3A_37 = arith.constant 0 : i32
    %dma_start3A_38 = arith.constant 0 : i32
    %dma_start3A_39 = tpu.memref_slice %arg6[%dma_start3A_35, %dma_start3A_37, %dma_start3A_38] : memref<5x128x128xf32, #tpu.memory_space<vmem>> -> memref<1x128x128xf32, #tpu.memory_space<vmem>>
    %dma_start3A_40 = tpu.memref_squeeze %dma_start3A_39 : memref<1x128x128xf32, #tpu.memory_space<vmem>> -> memref<128x128xf32, #tpu.memory_space<vmem>>
    %dma_start3A_41 = arith.constant 0 : i32
    %dma_start3A_42 = tpu.memref_slice %arg5[%dma_start3A_34, %dma_start3A_41] : memref<50x128xi32, #tpu.memory_space<vmem>> -> memref<1x128xi32, #tpu.memory_space<vmem>>
    %dma_start3A_43 = tpu.memref_squeeze %dma_start3A_42 : memref<1x128xi32, #tpu.memory_space<vmem>> -> memref<128xi32, #tpu.memory_space<vmem>>
    %dma_start3A_44 = arith.constant 0 : i32
    %dma_start3A_45 = arith.constant 0 : i32
    %dma_start3A_46 = tpu.memref_slice %arg3[%dma_start3A_44, %dma_start3A_45] : memref<100000x128xf32, #tpu.memory_space<hbm>> -> memref<100000x128xf32, #tpu.memory_space<hbm>>
    %dma_start3A_47 = tpu.memref_slice %arg7[%dma_start3A_36] : memref<5x!tpu.dma_semaphore, #tpu.memory_space<semaphore_mem>> -> memref<1x!tpu.dma_semaphore, #tpu.memory_space<semaphore_mem>>
    %dma_start3A_48 = tpu.memref_squeeze %dma_start3A_47 : memref<1x!tpu.dma_semaphore, #tpu.memory_space<semaphore_mem>> -> memref<!tpu.dma_semaphore, #tpu.memory_space<semaphore_mem>>
    tpu.enqueue_indirect_dma source(%dma_start3A_46 : memref<100000x128xf32, #tpu.memory_space<hbm>>) target(%dma_start3A_40 : memref<128x128xf32, #tpu.memory_space<vmem>>) offsets(%dma_start3A_43 : memref<128xi32, #tpu.memory_space<vmem>>) semaphore(%dma_start3A_48 : memref<!tpu.dma_semaphore, #tpu.memory_space<semaphore_mem>>)
    %dma_start3A_49 = arith.constant 3 : i32
    %dma_start3A_50 = arith.constant 3 : i32
    %dma_start3A_51 = arith.constant 3 : i32
    %dma_start3A_52 = arith.constant 0 : i32
    %dma_start3A_53 = arith.constant 0 : i32
    %dma_start3A_54 = tpu.memref_slice %arg6[%dma_start3A_50, %dma_start3A_52, %dma_start3A_53] : memref<5x128x128xf32, #tpu.memory_space<vmem>> -> memref<1x128x128xf32, #tpu.memory_space<vmem>>
    %dma_start3A_55 = tpu.memref_squeeze %dma_start3A_54 : memref<1x128x128xf32, #tpu.memory_space<vmem>> -> memref<128x128xf32, #tpu.memory_space<vmem>>
    %dma_start3A_56 = arith.constant 0 : i32
    %dma_start3A_57 = tpu.memref_slice %arg5[%dma_start3A_49, %dma_start3A_56] : memref<50x128xi32, #tpu.memory_space<vmem>> -> memref<1x128xi32, #tpu.memory_space<vmem>>
    %dma_start3A_58 = tpu.memref_squeeze %dma_start3A_57 : memref<1x128xi32, #tpu.memory_space<vmem>> -> memref<128xi32, #tpu.memory_space<vmem>>
    %dma_start3A_59 = arith.constant 0 : i32
    %dma_start3A_60 = arith.constant 0 : i32
    %dma_start3A_61 = tpu.memref_slice %arg3[%dma_start3A_59, %dma_start3A_60] : memref<100000x128xf32, #tpu.memory_space<hbm>> -> memref<100000x128xf32, #tpu.memory_space<hbm>>
    %dma_start3A_62 = tpu.memref_slice %arg7[%dma_start3A_51] : memref<5x!tpu.dma_semaphore, #tpu.memory_space<semaphore_mem>> -> memref<1x!tpu.dma_semaphore, #tpu.memory_space<semaphore_mem>>
    %dma_start3A_63 = tpu.memref_squeeze %dma_start3A_62 : memref<1x!tpu.dma_semaphore, #tpu.memory_space<semaphore_mem>> -> memref<!tpu.dma_semaphore, #tpu.memory_space<semaphore_mem>>
    tpu.enqueue_indirect_dma source(%dma_start3A_61 : memref<100000x128xf32, #tpu.memory_space<hbm>>) target(%dma_start3A_55 : memref<128x128xf32, #tpu.memory_space<vmem>>) offsets(%dma_start3A_58 : memref<128xi32, #tpu.memory_space<vmem>>) semaphore(%dma_start3A_63 : memref<!tpu.dma_semaphore, #tpu.memory_space<semaphore_mem>>)
    %dma_start3A_64 = arith.constant 4 : i32
    %dma_start3A_65 = arith.constant 4 : i32
    %dma_start3A_66 = arith.constant 4 : i32
    %dma_start3A_67 = arith.constant 0 : i32
    %dma_start3A_68 = arith.constant 0 : i32
    %dma_start3A_69 = tpu.memref_slice %arg6[%dma_start3A_65, %dma_start3A_67, %dma_start3A_68] : memref<5x128x128xf32, #tpu.memory_space<vmem>> -> memref<1x128x128xf32, #tpu.memory_space<vmem>>
    %dma_start3A_70 = tpu.memref_squeeze %dma_start3A_69 : memref<1x128x128xf32, #tpu.memory_space<vmem>> -> memref<128x128xf32, #tpu.memory_space<vmem>>
    %dma_start3A_71 = arith.constant 0 : i32
    %dma_start3A_72 = tpu.memref_slice %arg5[%dma_start3A_64, %dma_start3A_71] : memref<50x128xi32, #tpu.memory_space<vmem>> -> memref<1x128xi32, #tpu.memory_space<vmem>>
    %dma_start3A_73 = tpu.memref_squeeze %dma_start3A_72 : memref<1x128xi32, #tpu.memory_space<vmem>> -> memref<128xi32, #tpu.memory_space<vmem>>
    %dma_start3A_74 = arith.constant 0 : i32
    %dma_start3A_75 = arith.constant 0 : i32
    %dma_start3A_76 = tpu.memref_slice %arg3[%dma_start3A_74, %dma_start3A_75] : memref<100000x128xf32, #tpu.memory_space<hbm>> -> memref<100000x128xf32, #tpu.memory_space<hbm>>
    %dma_start3A_77 = tpu.memref_slice %arg7[%dma_start3A_66] : memref<5x!tpu.dma_semaphore, #tpu.memory_space<semaphore_mem>> -> memref<1x!tpu.dma_semaphore, #tpu.memory_space<semaphore_mem>>
    %dma_start3A_78 = tpu.memref_squeeze %dma_start3A_77 : memref<1x!tpu.dma_semaphore, #tpu.memory_space<semaphore_mem>> -> memref<!tpu.dma_semaphore, #tpu.memory_space<semaphore_mem>>
    tpu.enqueue_indirect_dma source(%dma_start3A_76 : memref<100000x128xf32, #tpu.memory_space<hbm>>) target(%dma_start3A_70 : memref<128x128xf32, #tpu.memory_space<vmem>>) offsets(%dma_start3A_73 : memref<128xi32, #tpu.memory_space<vmem>>) semaphore(%dma_start3A_78 : memref<!tpu.dma_semaphore, #tpu.memory_space<semaphore_mem>>)
    %scan3A = arith.constant 0 : i32
    %scan3A_79 = arith.constant 10 : i32
    %scan3A_80 = arith.addi %scan3A, %scan3A_79 : i32
    %scan3A_81 = arith.constant 1 : i32
    scf.for %scan3A_172 = %scan3A to %scan3A_80 step %scan3A_81  : i32 {
      %mul3A_173 = arith.constant 5 : i32
      %mul3A_174 = arith.muli %scan3A_172, %mul3A_173 : i32
      %add3A_175 = arith.constant 0 : i32
      %add3A_176 = arith.addi %add3A_175, %mul3A_174 : i32
      %add3A_177 = arith.constant 0 : i32
      %add3A_178 = arith.addi %add3A_176, %add3A_177 : i32
      %dma_wait3A_179 = arith.constant 0 : i32
      %dma_wait3A_180 = arith.constant 0 : i32
      %dma_wait3A_181 = arith.constant 0 : i32
      %dma_wait3A_182 = arith.constant 0 : i32
      %dma_wait3A_183 = arith.constant 0 : i32
      %dma_wait3A_184 = tpu.memref_slice %arg6[%dma_wait3A_180, %dma_wait3A_182, %dma_wait3A_183] : memref<5x128x128xf32, #tpu.memory_space<vmem>> -> memref<1x128x128xf32, #tpu.memory_space<vmem>>
      %dma_wait3A_185 = tpu.memref_squeeze %dma_wait3A_184 : memref<1x128x128xf32, #tpu.memory_space<vmem>> -> memref<128x128xf32, #tpu.memory_space<vmem>>
      %dma_wait3A_186 = arith.constant 0 : i32
      %dma_wait3A_187 = tpu.memref_slice %arg5[%dma_wait3A_179, %dma_wait3A_186] : memref<50x128xi32, #tpu.memory_space<vmem>> -> memref<1x128xi32, #tpu.memory_space<vmem>>
      %dma_wait3A_188 = tpu.memref_squeeze %dma_wait3A_187 : memref<1x128xi32, #tpu.memory_space<vmem>> -> memref<128xi32, #tpu.memory_space<vmem>>
      %dma_wait3A_189 = arith.constant 0 : i32
      %dma_wait3A_190 = arith.constant 0 : i32
      %dma_wait3A_191 = tpu.memref_slice %arg3[%dma_wait3A_189, %dma_wait3A_190] : memref<100000x128xf32, #tpu.memory_space<hbm>> -> memref<100000x128xf32, #tpu.memory_space<hbm>>
      %dma_wait3A_192 = tpu.memref_slice %arg7[%dma_wait3A_181] : memref<5x!tpu.dma_semaphore, #tpu.memory_space<semaphore_mem>> -> memref<1x!tpu.dma_semaphore, #tpu.memory_space<semaphore_mem>>
      %dma_wait3A_193 = tpu.memref_squeeze %dma_wait3A_192 : memref<1x!tpu.dma_semaphore, #tpu.memory_space<semaphore_mem>> -> memref<!tpu.dma_semaphore, #tpu.memory_space<semaphore_mem>>
      tpu.wait_indirect_dma semaphore(%dma_wait3A_193 : memref<!tpu.dma_semaphore, #tpu.memory_space<semaphore_mem>>) src(%dma_wait3A_191 : memref<100000x128xf32, #tpu.memory_space<hbm>>) dst(%dma_wait3A_185 : memref<128x128xf32, #tpu.memory_space<vmem>>)
      %mul3A_194 = arith.constant 4096 : i32
      %mul3A_195 = arith.muli %add3A_178, %mul3A_194 : i32
      %add3A_196 = arith.addi %mul3A_195, %mul3A_2 : i32
      %dma_start3A_197 = arith.constant 0 : i32
      %dma_start3A_198 = arith.constant 0 : i32
      %dma_start3A_199 = arith.constant 0 : i32
      %dma_start3A_200 = arith.constant 0 : i32
      %dma_start3A_201 = tpu.memref_slice %arg6[%dma_start3A_197, %dma_start3A_199, %dma_start3A_200] : memref<5x128x128xf32, #tpu.memory_space<vmem>> -> memref<1x128x128xf32, #tpu.memory_space<vmem>>
      %dma_start3A_202 = tpu.memref_squeeze %dma_start3A_201 : memref<1x128x128xf32, #tpu.memory_space<vmem>> -> memref<128x128xf32, #tpu.memory_space<vmem>>
      %dma_start3A_203 = arith.constant 0 : i32
      %dma_start3A_204 = tpu.memref_slice %arg4[%add3A_196, %dma_start3A_203] : memref<204800x128xf32, #tpu.memory_space<hbm>> -> memref<128x128xf32, #tpu.memory_space<hbm>>
      %dma_start3A_205 = tpu.memref_slice %arg8[%dma_start3A_198] : memref<5x!tpu.dma_semaphore, #tpu.memory_space<semaphore_mem>> -> memref<1x!tpu.dma_semaphore, #tpu.memory_space<semaphore_mem>>
      %dma_start3A_206 = tpu.memref_squeeze %dma_start3A_205 : memref<1x!tpu.dma_semaphore, #tpu.memory_space<semaphore_mem>> -> memref<!tpu.dma_semaphore, #tpu.memory_space<semaphore_mem>>
      %dma_start3A_207 = arith.constant 0 : i32
      %dma_start3A_208 = tpu.memref_slice %arg4[%add3A_196, %dma_start3A_207] : memref<204800x128xf32, #tpu.memory_space<hbm>> -> memref<128x128xf32, #tpu.memory_space<hbm>>
      %dma_start3A_209 = arith.constant 0 : i32
      %dma_start3A_210 = arith.constant 0 : i32
      %dma_start3A_211 = tpu.memref_slice %arg6[%dma_start3A_197, %dma_start3A_209, %dma_start3A_210] : memref<5x128x128xf32, #tpu.memory_space<vmem>> -> memref<1x128x128xf32, #tpu.memory_space<vmem>>
      %dma_start3A_212 = tpu.memref_squeeze %dma_start3A_211 : memref<1x128x128xf32, #tpu.memory_space<vmem>> -> memref<128x128xf32, #tpu.memory_space<vmem>>
      tpu.enqueue_dma source(%dma_start3A_212 : memref<128x128xf32, #tpu.memory_space<vmem>>) target(%dma_start3A_208 : memref<128x128xf32, #tpu.memory_space<hbm>>) target_semaphore(%dma_start3A_206 : memref<!tpu.dma_semaphore, #tpu.memory_space<semaphore_mem>>)
      %add3A_213 = arith.constant 5 : i32
      %add3A_214 = arith.addi %add3A_178, %add3A_213 : i32
      %lt3A = arith.constant 50 : i32
      %lt3A_215 = arith.cmpi slt, %add3A_214, %lt3A : i32
      %convert_element_type3A = arith.extui %lt3A_215 : i1 to i32
      %cond3A = arith.constant 0 : i32
      %cond3A_216 = arith.cmpi ne, %convert_element_type3A, %cond3A : i32
      scf.if %cond3A_216 {
        %dma_wait3A_389 = arith.constant 0 : i32
        %dma_wait3A_390 = arith.constant 0 : i32
        %dma_wait3A_391 = arith.constant 0 : i32
        %dma_wait3A_392 = arith.constant 0 : i32
        %dma_wait3A_393 = tpu.memref_slice %arg6[%dma_wait3A_389, %dma_wait3A_391, %dma_wait3A_392] : memref<5x128x128xf32, #tpu.memory_space<vmem>> -> memref<1x128x128xf32, #tpu.memory_space<vmem>>
        %dma_wait3A_394 = tpu.memref_squeeze %dma_wait3A_393 : memref<1x128x128xf32, #tpu.memory_space<vmem>> -> memref<128x128xf32, #tpu.memory_space<vmem>>
        %dma_wait3A_395 = arith.constant 0 : i32
        %dma_wait3A_396 = arith.constant 0 : i32
        %dma_wait3A_397 = tpu.memref_slice %arg4[%dma_wait3A_395, %dma_wait3A_396] : memref<204800x128xf32, #tpu.memory_space<hbm>> -> memref<128x128xf32, #tpu.memory_space<hbm>>
        %dma_wait3A_398 = tpu.memref_slice %arg8[%dma_wait3A_390] : memref<5x!tpu.dma_semaphore, #tpu.memory_space<semaphore_mem>> -> memref<1x!tpu.dma_semaphore, #tpu.memory_space<semaphore_mem>>
        %dma_wait3A_399 = tpu.memref_squeeze %dma_wait3A_398 : memref<1x!tpu.dma_semaphore, #tpu.memory_space<semaphore_mem>> -> memref<!tpu.dma_semaphore, #tpu.memory_space<semaphore_mem>>
        %dma_wait3A_400 = arith.constant 0 : i32
        %dma_wait3A_401 = arith.constant 0 : i32
        %dma_wait3A_402 = tpu.memref_slice %arg4[%dma_wait3A_400, %dma_wait3A_401] : memref<204800x128xf32, #tpu.memory_space<hbm>> -> memref<128x128xf32, #tpu.memory_space<hbm>>
        %dma_wait3A_403 = arith.constant 0 : i32
        %dma_wait3A_404 = arith.constant 0 : i32
        %dma_wait3A_405 = tpu.memref_slice %arg6[%dma_wait3A_389, %dma_wait3A_403, %dma_wait3A_404] : memref<5x128x128xf32, #tpu.memory_space<vmem>> -> memref<1x128x128xf32, #tpu.memory_space<vmem>>
        %dma_wait3A_406 = tpu.memref_squeeze %dma_wait3A_405 : memref<1x128x128xf32, #tpu.memory_space<vmem>> -> memref<128x128xf32, #tpu.memory_space<vmem>>
        tpu.wait_dma2 semaphore(%dma_wait3A_399 : memref<!tpu.dma_semaphore, #tpu.memory_space<semaphore_mem>>) src(%dma_wait3A_406 : memref<128x128xf32, #tpu.memory_space<vmem>>) dst(%dma_wait3A_402 : memref<128x128xf32, #tpu.memory_space<hbm>>)
        %add3A_407 = arith.constant 5 : i32
        %add3A_408 = arith.addi %add3A_178, %add3A_407 : i32
        %dma_start3A_409 = arith.constant 0 : i32
        %dma_start3A_410 = arith.constant 0 : i32
        %dma_start3A_411 = arith.constant 0 : i32
        %dma_start3A_412 = arith.constant 0 : i32
        %dma_start3A_413 = tpu.memref_slice %arg6[%dma_start3A_409, %dma_start3A_411, %dma_start3A_412] : memref<5x128x128xf32, #tpu.memory_space<vmem>> -> memref<1x128x128xf32, #tpu.memory_space<vmem>>
        %dma_start3A_414 = tpu.memref_squeeze %dma_start3A_413 : memref<1x128x128xf32, #tpu.memory_space<vmem>> -> memref<128x128xf32, #tpu.memory_space<vmem>>
        %dma_start3A_415 = arith.constant 0 : i32
        %dma_start3A_416 = tpu.memref_slice %arg5[%add3A_408, %dma_start3A_415] : memref<50x128xi32, #tpu.memory_space<vmem>> -> memref<1x128xi32, #tpu.memory_space<vmem>>
        %dma_start3A_417 = tpu.memref_squeeze %dma_start3A_416 : memref<1x128xi32, #tpu.memory_space<vmem>> -> memref<128xi32, #tpu.memory_space<vmem>>
        %dma_start3A_418 = arith.constant 0 : i32
        %dma_start3A_419 = arith.constant 0 : i32
        %dma_start3A_420 = tpu.memref_slice %arg3[%dma_start3A_418, %dma_start3A_419] : memref<100000x128xf32, #tpu.memory_space<hbm>> -> memref<100000x128xf32, #tpu.memory_space<hbm>>
        %dma_start3A_421 = tpu.memref_slice %arg7[%dma_start3A_410] : memref<5x!tpu.dma_semaphore, #tpu.memory_space<semaphore_mem>> -> memref<1x!tpu.dma_semaphore, #tpu.memory_space<semaphore_mem>>
        %dma_start3A_422 = tpu.memref_squeeze %dma_start3A_421 : memref<1x!tpu.dma_semaphore, #tpu.memory_space<semaphore_mem>> -> memref<!tpu.dma_semaphore, #tpu.memory_space<semaphore_mem>>
        tpu.enqueue_indirect_dma source(%dma_start3A_420 : memref<100000x128xf32, #tpu.memory_space<hbm>>) target(%dma_start3A_414 : memref<128x128xf32, #tpu.memory_space<vmem>>) offsets(%dma_start3A_417 : memref<128xi32, #tpu.memory_space<vmem>>) semaphore(%dma_start3A_422 : memref<!tpu.dma_semaphore, #tpu.memory_space<semaphore_mem>>)
      } else {
      }
      %add3A_217 = arith.constant 1 : i32
      %add3A_218 = arith.addi %add3A_176, %add3A_217 : i32
      %dma_wait3A_219 = arith.constant 0 : i32
      %dma_wait3A_220 = arith.constant 1 : i32
      %dma_wait3A_221 = arith.constant 1 : i32
      %dma_wait3A_222 = arith.constant 0 : i32
      %dma_wait3A_223 = arith.constant 0 : i32
      %dma_wait3A_224 = tpu.memref_slice %arg6[%dma_wait3A_220, %dma_wait3A_222, %dma_wait3A_223] : memref<5x128x128xf32, #tpu.memory_space<vmem>> -> memref<1x128x128xf32, #tpu.memory_space<vmem>>
      %dma_wait3A_225 = tpu.memref_squeeze %dma_wait3A_224 : memref<1x128x128xf32, #tpu.memory_space<vmem>> -> memref<128x128xf32, #tpu.memory_space<vmem>>
      %dma_wait3A_226 = arith.constant 0 : i32
      %dma_wait3A_227 = tpu.memref_slice %arg5[%dma_wait3A_219, %dma_wait3A_226] : memref<50x128xi32, #tpu.memory_space<vmem>> -> memref<1x128xi32, #tpu.memory_space<vmem>>
      %dma_wait3A_228 = tpu.memref_squeeze %dma_wait3A_227 : memref<1x128xi32, #tpu.memory_space<vmem>> -> memref<128xi32, #tpu.memory_space<vmem>>
      %dma_wait3A_229 = arith.constant 0 : i32
      %dma_wait3A_230 = arith.constant 0 : i32
      %dma_wait3A_231 = tpu.memref_slice %arg3[%dma_wait3A_229, %dma_wait3A_230] : memref<100000x128xf32, #tpu.memory_space<hbm>> -> memref<100000x128xf32, #tpu.memory_space<hbm>>
      %dma_wait3A_232 = tpu.memref_slice %arg7[%dma_wait3A_221] : memref<5x!tpu.dma_semaphore, #tpu.memory_space<semaphore_mem>> -> memref<1x!tpu.dma_semaphore, #tpu.memory_space<semaphore_mem>>
      %dma_wait3A_233 = tpu.memref_squeeze %dma_wait3A_232 : memref<1x!tpu.dma_semaphore, #tpu.memory_space<semaphore_mem>> -> memref<!tpu.dma_semaphore, #tpu.memory_space<semaphore_mem>>
      tpu.wait_indirect_dma semaphore(%dma_wait3A_233 : memref<!tpu.dma_semaphore, #tpu.memory_space<semaphore_mem>>) src(%dma_wait3A_231 : memref<100000x128xf32, #tpu.memory_space<hbm>>) dst(%dma_wait3A_225 : memref<128x128xf32, #tpu.memory_space<vmem>>)
      %mul3A_234 = arith.constant 4096 : i32
      %mul3A_235 = arith.muli %add3A_218, %mul3A_234 : i32
      %add3A_236 = arith.addi %mul3A_235, %mul3A_2 : i32
      %dma_start3A_237 = arith.constant 1 : i32
      %dma_start3A_238 = arith.constant 1 : i32
      %dma_start3A_239 = arith.constant 0 : i32
      %dma_start3A_240 = arith.constant 0 : i32
      %dma_start3A_241 = tpu.memref_slice %arg6[%dma_start3A_237, %dma_start3A_239, %dma_start3A_240] : memref<5x128x128xf32, #tpu.memory_space<vmem>> -> memref<1x128x128xf32, #tpu.memory_space<vmem>>
      %dma_start3A_242 = tpu.memref_squeeze %dma_start3A_241 : memref<1x128x128xf32, #tpu.memory_space<vmem>> -> memref<128x128xf32, #tpu.memory_space<vmem>>
      %dma_start3A_243 = arith.constant 0 : i32
      %dma_start3A_244 = tpu.memref_slice %arg4[%add3A_236, %dma_start3A_243] : memref<204800x128xf32, #tpu.memory_space<hbm>> -> memref<128x128xf32, #tpu.memory_space<hbm>>
      %dma_start3A_245 = tpu.memref_slice %arg8[%dma_start3A_238] : memref<5x!tpu.dma_semaphore, #tpu.memory_space<semaphore_mem>> -> memref<1x!tpu.dma_semaphore, #tpu.memory_space<semaphore_mem>>
      %dma_start3A_246 = tpu.memref_squeeze %dma_start3A_245 : memref<1x!tpu.dma_semaphore, #tpu.memory_space<semaphore_mem>> -> memref<!tpu.dma_semaphore, #tpu.memory_space<semaphore_mem>>
      %dma_start3A_247 = arith.constant 0 : i32
      %dma_start3A_248 = tpu.memref_slice %arg4[%add3A_236, %dma_start3A_247] : memref<204800x128xf32, #tpu.memory_space<hbm>> -> memref<128x128xf32, #tpu.memory_space<hbm>>
      %dma_start3A_249 = arith.constant 0 : i32
      %dma_start3A_250 = arith.constant 0 : i32
      %dma_start3A_251 = tpu.memref_slice %arg6[%dma_start3A_237, %dma_start3A_249, %dma_start3A_250] : memref<5x128x128xf32, #tpu.memory_space<vmem>> -> memref<1x128x128xf32, #tpu.memory_space<vmem>>
      %dma_start3A_252 = tpu.memref_squeeze %dma_start3A_251 : memref<1x128x128xf32, #tpu.memory_space<vmem>> -> memref<128x128xf32, #tpu.memory_space<vmem>>
      tpu.enqueue_dma source(%dma_start3A_252 : memref<128x128xf32, #tpu.memory_space<vmem>>) target(%dma_start3A_248 : memref<128x128xf32, #tpu.memory_space<hbm>>) target_semaphore(%dma_start3A_246 : memref<!tpu.dma_semaphore, #tpu.memory_space<semaphore_mem>>)
      %add3A_253 = arith.constant 5 : i32
      %add3A_254 = arith.addi %add3A_218, %add3A_253 : i32
      %lt3A_255 = arith.constant 50 : i32
      %lt3A_256 = arith.cmpi slt, %add3A_254, %lt3A_255 : i32
      %convert_element_type3A_257 = arith.extui %lt3A_256 : i1 to i32
      %cond3A_258 = arith.constant 0 : i32
      %cond3A_259 = arith.cmpi ne, %convert_element_type3A_257, %cond3A_258 : i32
      scf.if %cond3A_259 {
        %dma_wait3A_389 = arith.constant 1 : i32
        %dma_wait3A_390 = arith.constant 1 : i32
        %dma_wait3A_391 = arith.constant 0 : i32
        %dma_wait3A_392 = arith.constant 0 : i32
        %dma_wait3A_393 = tpu.memref_slice %arg6[%dma_wait3A_389, %dma_wait3A_391, %dma_wait3A_392] : memref<5x128x128xf32, #tpu.memory_space<vmem>> -> memref<1x128x128xf32, #tpu.memory_space<vmem>>
        %dma_wait3A_394 = tpu.memref_squeeze %dma_wait3A_393 : memref<1x128x128xf32, #tpu.memory_space<vmem>> -> memref<128x128xf32, #tpu.memory_space<vmem>>
        %dma_wait3A_395 = arith.constant 0 : i32
        %dma_wait3A_396 = arith.constant 0 : i32
        %dma_wait3A_397 = tpu.memref_slice %arg4[%dma_wait3A_395, %dma_wait3A_396] : memref<204800x128xf32, #tpu.memory_space<hbm>> -> memref<128x128xf32, #tpu.memory_space<hbm>>
        %dma_wait3A_398 = tpu.memref_slice %arg8[%dma_wait3A_390] : memref<5x!tpu.dma_semaphore, #tpu.memory_space<semaphore_mem>> -> memref<1x!tpu.dma_semaphore, #tpu.memory_space<semaphore_mem>>
        %dma_wait3A_399 = tpu.memref_squeeze %dma_wait3A_398 : memref<1x!tpu.dma_semaphore, #tpu.memory_space<semaphore_mem>> -> memref<!tpu.dma_semaphore, #tpu.memory_space<semaphore_mem>>
        %dma_wait3A_400 = arith.constant 0 : i32
        %dma_wait3A_401 = arith.constant 0 : i32
        %dma_wait3A_402 = tpu.memref_slice %arg4[%dma_wait3A_400, %dma_wait3A_401] : memref<204800x128xf32, #tpu.memory_space<hbm>> -> memref<128x128xf32, #tpu.memory_space<hbm>>
        %dma_wait3A_403 = arith.constant 0 : i32
        %dma_wait3A_404 = arith.constant 0 : i32
        %dma_wait3A_405 = tpu.memref_slice %arg6[%dma_wait3A_389, %dma_wait3A_403, %dma_wait3A_404] : memref<5x128x128xf32, #tpu.memory_space<vmem>> -> memref<1x128x128xf32, #tpu.memory_space<vmem>>
        %dma_wait3A_406 = tpu.memref_squeeze %dma_wait3A_405 : memref<1x128x128xf32, #tpu.memory_space<vmem>> -> memref<128x128xf32, #tpu.memory_space<vmem>>
        tpu.wait_dma2 semaphore(%dma_wait3A_399 : memref<!tpu.dma_semaphore, #tpu.memory_space<semaphore_mem>>) src(%dma_wait3A_406 : memref<128x128xf32, #tpu.memory_space<vmem>>) dst(%dma_wait3A_402 : memref<128x128xf32, #tpu.memory_space<hbm>>)
        %add3A_407 = arith.constant 5 : i32
        %add3A_408 = arith.addi %add3A_218, %add3A_407 : i32
        %dma_start3A_409 = arith.constant 1 : i32
        %dma_start3A_410 = arith.constant 1 : i32
        %dma_start3A_411 = arith.constant 0 : i32
        %dma_start3A_412 = arith.constant 0 : i32
        %dma_start3A_413 = tpu.memref_slice %arg6[%dma_start3A_409, %dma_start3A_411, %dma_start3A_412] : memref<5x128x128xf32, #tpu.memory_space<vmem>> -> memref<1x128x128xf32, #tpu.memory_space<vmem>>
        %dma_start3A_414 = tpu.memref_squeeze %dma_start3A_413 : memref<1x128x128xf32, #tpu.memory_space<vmem>> -> memref<128x128xf32, #tpu.memory_space<vmem>>
        %dma_start3A_415 = arith.constant 0 : i32
        %dma_start3A_416 = tpu.memref_slice %arg5[%add3A_408, %dma_start3A_415] : memref<50x128xi32, #tpu.memory_space<vmem>> -> memref<1x128xi32, #tpu.memory_space<vmem>>
        %dma_start3A_417 = tpu.memref_squeeze %dma_start3A_416 : memref<1x128xi32, #tpu.memory_space<vmem>> -> memref<128xi32, #tpu.memory_space<vmem>>
        %dma_start3A_418 = arith.constant 0 : i32
        %dma_start3A_419 = arith.constant 0 : i32
        %dma_start3A_420 = tpu.memref_slice %arg3[%dma_start3A_418, %dma_start3A_419] : memref<100000x128xf32, #tpu.memory_space<hbm>> -> memref<100000x128xf32, #tpu.memory_space<hbm>>
        %dma_start3A_421 = tpu.memref_slice %arg7[%dma_start3A_410] : memref<5x!tpu.dma_semaphore, #tpu.memory_space<semaphore_mem>> -> memref<1x!tpu.dma_semaphore, #tpu.memory_space<semaphore_mem>>
        %dma_start3A_422 = tpu.memref_squeeze %dma_start3A_421 : memref<1x!tpu.dma_semaphore, #tpu.memory_space<semaphore_mem>> -> memref<!tpu.dma_semaphore, #tpu.memory_space<semaphore_mem>>
        tpu.enqueue_indirect_dma source(%dma_start3A_420 : memref<100000x128xf32, #tpu.memory_space<hbm>>) target(%dma_start3A_414 : memref<128x128xf32, #tpu.memory_space<vmem>>) offsets(%dma_start3A_417 : memref<128xi32, #tpu.memory_space<vmem>>) semaphore(%dma_start3A_422 : memref<!tpu.dma_semaphore, #tpu.memory_space<semaphore_mem>>)
      } else {
      }
      %add3A_260 = arith.constant 2 : i32
      %add3A_261 = arith.addi %add3A_176, %add3A_260 : i32
      %dma_wait3A_262 = arith.constant 0 : i32
      %dma_wait3A_263 = arith.constant 2 : i32
      %dma_wait3A_264 = arith.constant 2 : i32
      %dma_wait3A_265 = arith.constant 0 : i32
      %dma_wait3A_266 = arith.constant 0 : i32
      %dma_wait3A_267 = tpu.memref_slice %arg6[%dma_wait3A_263, %dma_wait3A_265, %dma_wait3A_266] : memref<5x128x128xf32, #tpu.memory_space<vmem>> -> memref<1x128x128xf32, #tpu.memory_space<vmem>>
      %dma_wait3A_268 = tpu.memref_squeeze %dma_wait3A_267 : memref<1x128x128xf32, #tpu.memory_space<vmem>> -> memref<128x128xf32, #tpu.memory_space<vmem>>
      %dma_wait3A_269 = arith.constant 0 : i32
      %dma_wait3A_270 = tpu.memref_slice %arg5[%dma_wait3A_262, %dma_wait3A_269] : memref<50x128xi32, #tpu.memory_space<vmem>> -> memref<1x128xi32, #tpu.memory_space<vmem>>
      %dma_wait3A_271 = tpu.memref_squeeze %dma_wait3A_270 : memref<1x128xi32, #tpu.memory_space<vmem>> -> memref<128xi32, #tpu.memory_space<vmem>>
      %dma_wait3A_272 = arith.constant 0 : i32
      %dma_wait3A_273 = arith.constant 0 : i32
      %dma_wait3A_274 = tpu.memref_slice %arg3[%dma_wait3A_272, %dma_wait3A_273] : memref<100000x128xf32, #tpu.memory_space<hbm>> -> memref<100000x128xf32, #tpu.memory_space<hbm>>
      %dma_wait3A_275 = tpu.memref_slice %arg7[%dma_wait3A_264] : memref<5x!tpu.dma_semaphore, #tpu.memory_space<semaphore_mem>> -> memref<1x!tpu.dma_semaphore, #tpu.memory_space<semaphore_mem>>
      %dma_wait3A_276 = tpu.memref_squeeze %dma_wait3A_275 : memref<1x!tpu.dma_semaphore, #tpu.memory_space<semaphore_mem>> -> memref<!tpu.dma_semaphore, #tpu.memory_space<semaphore_mem>>
      tpu.wait_indirect_dma semaphore(%dma_wait3A_276 : memref<!tpu.dma_semaphore, #tpu.memory_space<semaphore_mem>>) src(%dma_wait3A_274 : memref<100000x128xf32, #tpu.memory_space<hbm>>) dst(%dma_wait3A_268 : memref<128x128xf32, #tpu.memory_space<vmem>>)
      %mul3A_277 = arith.constant 4096 : i32
      %mul3A_278 = arith.muli %add3A_261, %mul3A_277 : i32
      %add3A_279 = arith.addi %mul3A_278, %mul3A_2 : i32
      %dma_start3A_280 = arith.constant 2 : i32
      %dma_start3A_281 = arith.constant 2 : i32
      %dma_start3A_282 = arith.constant 0 : i32
      %dma_start3A_283 = arith.constant 0 : i32
      %dma_start3A_284 = tpu.memref_slice %arg6[%dma_start3A_280, %dma_start3A_282, %dma_start3A_283] : memref<5x128x128xf32, #tpu.memory_space<vmem>> -> memref<1x128x128xf32, #tpu.memory_space<vmem>>
      %dma_start3A_285 = tpu.memref_squeeze %dma_start3A_284 : memref<1x128x128xf32, #tpu.memory_space<vmem>> -> memref<128x128xf32, #tpu.memory_space<vmem>>
      %dma_start3A_286 = arith.constant 0 : i32
      %dma_start3A_287 = tpu.memref_slice %arg4[%add3A_279, %dma_start3A_286] : memref<204800x128xf32, #tpu.memory_space<hbm>> -> memref<128x128xf32, #tpu.memory_space<hbm>>
      %dma_start3A_288 = tpu.memref_slice %arg8[%dma_start3A_281] : memref<5x!tpu.dma_semaphore, #tpu.memory_space<semaphore_mem>> -> memref<1x!tpu.dma_semaphore, #tpu.memory_space<semaphore_mem>>
      %dma_start3A_289 = tpu.memref_squeeze %dma_start3A_288 : memref<1x!tpu.dma_semaphore, #tpu.memory_space<semaphore_mem>> -> memref<!tpu.dma_semaphore, #tpu.memory_space<semaphore_mem>>
      %dma_start3A_290 = arith.constant 0 : i32
      %dma_start3A_291 = tpu.memref_slice %arg4[%add3A_279, %dma_start3A_290] : memref<204800x128xf32, #tpu.memory_space<hbm>> -> memref<128x128xf32, #tpu.memory_space<hbm>>
      %dma_start3A_292 = arith.constant 0 : i32
      %dma_start3A_293 = arith.constant 0 : i32
      %dma_start3A_294 = tpu.memref_slice %arg6[%dma_start3A_280, %dma_start3A_292, %dma_start3A_293] : memref<5x128x128xf32, #tpu.memory_space<vmem>> -> memref<1x128x128xf32, #tpu.memory_space<vmem>>
      %dma_start3A_295 = tpu.memref_squeeze %dma_start3A_294 : memref<1x128x128xf32, #tpu.memory_space<vmem>> -> memref<128x128xf32, #tpu.memory_space<vmem>>
      tpu.enqueue_dma source(%dma_start3A_295 : memref<128x128xf32, #tpu.memory_space<vmem>>) target(%dma_start3A_291 : memref<128x128xf32, #tpu.memory_space<hbm>>) target_semaphore(%dma_start3A_289 : memref<!tpu.dma_semaphore, #tpu.memory_space<semaphore_mem>>)
      %add3A_296 = arith.constant 5 : i32
      %add3A_297 = arith.addi %add3A_261, %add3A_296 : i32
      %lt3A_298 = arith.constant 50 : i32
      %lt3A_299 = arith.cmpi slt, %add3A_297, %lt3A_298 : i32
      %convert_element_type3A_300 = arith.extui %lt3A_299 : i1 to i32
      %cond3A_301 = arith.constant 0 : i32
      %cond3A_302 = arith.cmpi ne, %convert_element_type3A_300, %cond3A_301 : i32
      scf.if %cond3A_302 {
        %dma_wait3A_389 = arith.constant 2 : i32
        %dma_wait3A_390 = arith.constant 2 : i32
        %dma_wait3A_391 = arith.constant 0 : i32
        %dma_wait3A_392 = arith.constant 0 : i32
        %dma_wait3A_393 = tpu.memref_slice %arg6[%dma_wait3A_389, %dma_wait3A_391, %dma_wait3A_392] : memref<5x128x128xf32, #tpu.memory_space<vmem>> -> memref<1x128x128xf32, #tpu.memory_space<vmem>>
        %dma_wait3A_394 = tpu.memref_squeeze %dma_wait3A_393 : memref<1x128x128xf32, #tpu.memory_space<vmem>> -> memref<128x128xf32, #tpu.memory_space<vmem>>
        %dma_wait3A_395 = arith.constant 0 : i32
        %dma_wait3A_396 = arith.constant 0 : i32
        %dma_wait3A_397 = tpu.memref_slice %arg4[%dma_wait3A_395, %dma_wait3A_396] : memref<204800x128xf32, #tpu.memory_space<hbm>> -> memref<128x128xf32, #tpu.memory_space<hbm>>
        %dma_wait3A_398 = tpu.memref_slice %arg8[%dma_wait3A_390] : memref<5x!tpu.dma_semaphore, #tpu.memory_space<semaphore_mem>> -> memref<1x!tpu.dma_semaphore, #tpu.memory_space<semaphore_mem>>
        %dma_wait3A_399 = tpu.memref_squeeze %dma_wait3A_398 : memref<1x!tpu.dma_semaphore, #tpu.memory_space<semaphore_mem>> -> memref<!tpu.dma_semaphore, #tpu.memory_space<semaphore_mem>>
        %dma_wait3A_400 = arith.constant 0 : i32
        %dma_wait3A_401 = arith.constant 0 : i32
        %dma_wait3A_402 = tpu.memref_slice %arg4[%dma_wait3A_400, %dma_wait3A_401] : memref<204800x128xf32, #tpu.memory_space<hbm>> -> memref<128x128xf32, #tpu.memory_space<hbm>>
        %dma_wait3A_403 = arith.constant 0 : i32
        %dma_wait3A_404 = arith.constant 0 : i32
        %dma_wait3A_405 = tpu.memref_slice %arg6[%dma_wait3A_389, %dma_wait3A_403, %dma_wait3A_404] : memref<5x128x128xf32, #tpu.memory_space<vmem>> -> memref<1x128x128xf32, #tpu.memory_space<vmem>>
        %dma_wait3A_406 = tpu.memref_squeeze %dma_wait3A_405 : memref<1x128x128xf32, #tpu.memory_space<vmem>> -> memref<128x128xf32, #tpu.memory_space<vmem>>
        tpu.wait_dma2 semaphore(%dma_wait3A_399 : memref<!tpu.dma_semaphore, #tpu.memory_space<semaphore_mem>>) src(%dma_wait3A_406 : memref<128x128xf32, #tpu.memory_space<vmem>>) dst(%dma_wait3A_402 : memref<128x128xf32, #tpu.memory_space<hbm>>)
        %add3A_407 = arith.constant 5 : i32
        %add3A_408 = arith.addi %add3A_261, %add3A_407 : i32
        %dma_start3A_409 = arith.constant 2 : i32
        %dma_start3A_410 = arith.constant 2 : i32
        %dma_start3A_411 = arith.constant 0 : i32
        %dma_start3A_412 = arith.constant 0 : i32
        %dma_start3A_413 = tpu.memref_slice %arg6[%dma_start3A_409, %dma_start3A_411, %dma_start3A_412] : memref<5x128x128xf32, #tpu.memory_space<vmem>> -> memref<1x128x128xf32, #tpu.memory_space<vmem>>
        %dma_start3A_414 = tpu.memref_squeeze %dma_start3A_413 : memref<1x128x128xf32, #tpu.memory_space<vmem>> -> memref<128x128xf32, #tpu.memory_space<vmem>>
        %dma_start3A_415 = arith.constant 0 : i32
        %dma_start3A_416 = tpu.memref_slice %arg5[%add3A_408, %dma_start3A_415] : memref<50x128xi32, #tpu.memory_space<vmem>> -> memref<1x128xi32, #tpu.memory_space<vmem>>
        %dma_start3A_417 = tpu.memref_squeeze %dma_start3A_416 : memref<1x128xi32, #tpu.memory_space<vmem>> -> memref<128xi32, #tpu.memory_space<vmem>>
        %dma_start3A_418 = arith.constant 0 : i32
        %dma_start3A_419 = arith.constant 0 : i32
        %dma_start3A_420 = tpu.memref_slice %arg3[%dma_start3A_418, %dma_start3A_419] : memref<100000x128xf32, #tpu.memory_space<hbm>> -> memref<100000x128xf32, #tpu.memory_space<hbm>>
        %dma_start3A_421 = tpu.memref_slice %arg7[%dma_start3A_410] : memref<5x!tpu.dma_semaphore, #tpu.memory_space<semaphore_mem>> -> memref<1x!tpu.dma_semaphore, #tpu.memory_space<semaphore_mem>>
        %dma_start3A_422 = tpu.memref_squeeze %dma_start3A_421 : memref<1x!tpu.dma_semaphore, #tpu.memory_space<semaphore_mem>> -> memref<!tpu.dma_semaphore, #tpu.memory_space<semaphore_mem>>
        tpu.enqueue_indirect_dma source(%dma_start3A_420 : memref<100000x128xf32, #tpu.memory_space<hbm>>) target(%dma_start3A_414 : memref<128x128xf32, #tpu.memory_space<vmem>>) offsets(%dma_start3A_417 : memref<128xi32, #tpu.memory_space<vmem>>) semaphore(%dma_start3A_422 : memref<!tpu.dma_semaphore, #tpu.memory_space<semaphore_mem>>)
      } else {
      }
      %add3A_303 = arith.constant 3 : i32
      %add3A_304 = arith.addi %add3A_176, %add3A_303 : i32
      %dma_wait3A_305 = arith.constant 0 : i32
      %dma_wait3A_306 = arith.constant 3 : i32
      %dma_wait3A_307 = arith.constant 3 : i32
      %dma_wait3A_308 = arith.constant 0 : i32
      %dma_wait3A_309 = arith.constant 0 : i32
      %dma_wait3A_310 = tpu.memref_slice %arg6[%dma_wait3A_306, %dma_wait3A_308, %dma_wait3A_309] : memref<5x128x128xf32, #tpu.memory_space<vmem>> -> memref<1x128x128xf32, #tpu.memory_space<vmem>>
      %dma_wait3A_311 = tpu.memref_squeeze %dma_wait3A_310 : memref<1x128x128xf32, #tpu.memory_space<vmem>> -> memref<128x128xf32, #tpu.memory_space<vmem>>
      %dma_wait3A_312 = arith.constant 0 : i32
      %dma_wait3A_313 = tpu.memref_slice %arg5[%dma_wait3A_305, %dma_wait3A_312] : memref<50x128xi32, #tpu.memory_space<vmem>> -> memref<1x128xi32, #tpu.memory_space<vmem>>
      %dma_wait3A_314 = tpu.memref_squeeze %dma_wait3A_313 : memref<1x128xi32, #tpu.memory_space<vmem>> -> memref<128xi32, #tpu.memory_space<vmem>>
      %dma_wait3A_315 = arith.constant 0 : i32
      %dma_wait3A_316 = arith.constant 0 : i32
      %dma_wait3A_317 = tpu.memref_slice %arg3[%dma_wait3A_315, %dma_wait3A_316] : memref<100000x128xf32, #tpu.memory_space<hbm>> -> memref<100000x128xf32, #tpu.memory_space<hbm>>
      %dma_wait3A_318 = tpu.memref_slice %arg7[%dma_wait3A_307] : memref<5x!tpu.dma_semaphore, #tpu.memory_space<semaphore_mem>> -> memref<1x!tpu.dma_semaphore, #tpu.memory_space<semaphore_mem>>
      %dma_wait3A_319 = tpu.memref_squeeze %dma_wait3A_318 : memref<1x!tpu.dma_semaphore, #tpu.memory_space<semaphore_mem>> -> memref<!tpu.dma_semaphore, #tpu.memory_space<semaphore_mem>>
      tpu.wait_indirect_dma semaphore(%dma_wait3A_319 : memref<!tpu.dma_semaphore, #tpu.memory_space<semaphore_mem>>) src(%dma_wait3A_317 : memref<100000x128xf32, #tpu.memory_space<hbm>>) dst(%dma_wait3A_311 : memref<128x128xf32, #tpu.memory_space<vmem>>)
      %mul3A_320 = arith.constant 4096 : i32
      %mul3A_321 = arith.muli %add3A_304, %mul3A_320 : i32
      %add3A_322 = arith.addi %mul3A_321, %mul3A_2 : i32
      %dma_start3A_323 = arith.constant 3 : i32
      %dma_start3A_324 = arith.constant 3 : i32
      %dma_start3A_325 = arith.constant 0 : i32
      %dma_start3A_326 = arith.constant 0 : i32
      %dma_start3A_327 = tpu.memref_slice %arg6[%dma_start3A_323, %dma_start3A_325, %dma_start3A_326] : memref<5x128x128xf32, #tpu.memory_space<vmem>> -> memref<1x128x128xf32, #tpu.memory_space<vmem>>
      %dma_start3A_328 = tpu.memref_squeeze %dma_start3A_327 : memref<1x128x128xf32, #tpu.memory_space<vmem>> -> memref<128x128xf32, #tpu.memory_space<vmem>>
      %dma_start3A_329 = arith.constant 0 : i32
      %dma_start3A_330 = tpu.memref_slice %arg4[%add3A_322, %dma_start3A_329] : memref<204800x128xf32, #tpu.memory_space<hbm>> -> memref<128x128xf32, #tpu.memory_space<hbm>>
      %dma_start3A_331 = tpu.memref_slice %arg8[%dma_start3A_324] : memref<5x!tpu.dma_semaphore, #tpu.memory_space<semaphore_mem>> -> memref<1x!tpu.dma_semaphore, #tpu.memory_space<semaphore_mem>>
      %dma_start3A_332 = tpu.memref_squeeze %dma_start3A_331 : memref<1x!tpu.dma_semaphore, #tpu.memory_space<semaphore_mem>> -> memref<!tpu.dma_semaphore, #tpu.memory_space<semaphore_mem>>
      %dma_start3A_333 = arith.constant 0 : i32
      %dma_start3A_334 = tpu.memref_slice %arg4[%add3A_322, %dma_start3A_333] : memref<204800x128xf32, #tpu.memory_space<hbm>> -> memref<128x128xf32, #tpu.memory_space<hbm>>
      %dma_start3A_335 = arith.constant 0 : i32
      %dma_start3A_336 = arith.constant 0 : i32
      %dma_start3A_337 = tpu.memref_slice %arg6[%dma_start3A_323, %dma_start3A_335, %dma_start3A_336] : memref<5x128x128xf32, #tpu.memory_space<vmem>> -> memref<1x128x128xf32, #tpu.memory_space<vmem>>
      %dma_start3A_338 = tpu.memref_squeeze %dma_start3A_337 : memref<1x128x128xf32, #tpu.memory_space<vmem>> -> memref<128x128xf32, #tpu.memory_space<vmem>>
      tpu.enqueue_dma source(%dma_start3A_338 : memref<128x128xf32, #tpu.memory_space<vmem>>) target(%dma_start3A_334 : memref<128x128xf32, #tpu.memory_space<hbm>>) target_semaphore(%dma_start3A_332 : memref<!tpu.dma_semaphore, #tpu.memory_space<semaphore_mem>>)
      %add3A_339 = arith.constant 5 : i32
      %add3A_340 = arith.addi %add3A_304, %add3A_339 : i32
      %lt3A_341 = arith.constant 50 : i32
      %lt3A_342 = arith.cmpi slt, %add3A_340, %lt3A_341 : i32
      %convert_element_type3A_343 = arith.extui %lt3A_342 : i1 to i32
      %cond3A_344 = arith.constant 0 : i32
      %cond3A_345 = arith.cmpi ne, %convert_element_type3A_343, %cond3A_344 : i32
      scf.if %cond3A_345 {
        %dma_wait3A_389 = arith.constant 3 : i32
        %dma_wait3A_390 = arith.constant 3 : i32
        %dma_wait3A_391 = arith.constant 0 : i32
        %dma_wait3A_392 = arith.constant 0 : i32
        %dma_wait3A_393 = tpu.memref_slice %arg6[%dma_wait3A_389, %dma_wait3A_391, %dma_wait3A_392] : memref<5x128x128xf32, #tpu.memory_space<vmem>> -> memref<1x128x128xf32, #tpu.memory_space<vmem>>
        %dma_wait3A_394 = tpu.memref_squeeze %dma_wait3A_393 : memref<1x128x128xf32, #tpu.memory_space<vmem>> -> memref<128x128xf32, #tpu.memory_space<vmem>>
        %dma_wait3A_395 = arith.constant 0 : i32
        %dma_wait3A_396 = arith.constant 0 : i32
        %dma_wait3A_397 = tpu.memref_slice %arg4[%dma_wait3A_395, %dma_wait3A_396] : memref<204800x128xf32, #tpu.memory_space<hbm>> -> memref<128x128xf32, #tpu.memory_space<hbm>>
        %dma_wait3A_398 = tpu.memref_slice %arg8[%dma_wait3A_390] : memref<5x!tpu.dma_semaphore, #tpu.memory_space<semaphore_mem>> -> memref<1x!tpu.dma_semaphore, #tpu.memory_space<semaphore_mem>>
        %dma_wait3A_399 = tpu.memref_squeeze %dma_wait3A_398 : memref<1x!tpu.dma_semaphore, #tpu.memory_space<semaphore_mem>> -> memref<!tpu.dma_semaphore, #tpu.memory_space<semaphore_mem>>
        %dma_wait3A_400 = arith.constant 0 : i32
        %dma_wait3A_401 = arith.constant 0 : i32
        %dma_wait3A_402 = tpu.memref_slice %arg4[%dma_wait3A_400, %dma_wait3A_401] : memref<204800x128xf32, #tpu.memory_space<hbm>> -> memref<128x128xf32, #tpu.memory_space<hbm>>
        %dma_wait3A_403 = arith.constant 0 : i32
        %dma_wait3A_404 = arith.constant 0 : i32
        %dma_wait3A_405 = tpu.memref_slice %arg6[%dma_wait3A_389, %dma_wait3A_403, %dma_wait3A_404] : memref<5x128x128xf32, #tpu.memory_space<vmem>> -> memref<1x128x128xf32, #tpu.memory_space<vmem>>
        %dma_wait3A_406 = tpu.memref_squeeze %dma_wait3A_405 : memref<1x128x128xf32, #tpu.memory_space<vmem>> -> memref<128x128xf32, #tpu.memory_space<vmem>>
        tpu.wait_dma2 semaphore(%dma_wait3A_399 : memref<!tpu.dma_semaphore, #tpu.memory_space<semaphore_mem>>) src(%dma_wait3A_406 : memref<128x128xf32, #tpu.memory_space<vmem>>) dst(%dma_wait3A_402 : memref<128x128xf32, #tpu.memory_space<hbm>>)
        %add3A_407 = arith.constant 5 : i32
        %add3A_408 = arith.addi %add3A_304, %add3A_407 : i32
        %dma_start3A_409 = arith.constant 3 : i32
        %dma_start3A_410 = arith.constant 3 : i32
        %dma_start3A_411 = arith.constant 0 : i32
        %dma_start3A_412 = arith.constant 0 : i32
        %dma_start3A_413 = tpu.memref_slice %arg6[%dma_start3A_409, %dma_start3A_411, %dma_start3A_412] : memref<5x128x128xf32, #tpu.memory_space<vmem>> -> memref<1x128x128xf32, #tpu.memory_space<vmem>>
        %dma_start3A_414 = tpu.memref_squeeze %dma_start3A_413 : memref<1x128x128xf32, #tpu.memory_space<vmem>> -> memref<128x128xf32, #tpu.memory_space<vmem>>
        %dma_start3A_415 = arith.constant 0 : i32
        %dma_start3A_416 = tpu.memref_slice %arg5[%add3A_408, %dma_start3A_415] : memref<50x128xi32, #tpu.memory_space<vmem>> -> memref<1x128xi32, #tpu.memory_space<vmem>>
        %dma_start3A_417 = tpu.memref_squeeze %dma_start3A_416 : memref<1x128xi32, #tpu.memory_space<vmem>> -> memref<128xi32, #tpu.memory_space<vmem>>
        %dma_start3A_418 = arith.constant 0 : i32
        %dma_start3A_419 = arith.constant 0 : i32
        %dma_start3A_420 = tpu.memref_slice %arg3[%dma_start3A_418, %dma_start3A_419] : memref<100000x128xf32, #tpu.memory_space<hbm>> -> memref<100000x128xf32, #tpu.memory_space<hbm>>
        %dma_start3A_421 = tpu.memref_slice %arg7[%dma_start3A_410] : memref<5x!tpu.dma_semaphore, #tpu.memory_space<semaphore_mem>> -> memref<1x!tpu.dma_semaphore, #tpu.memory_space<semaphore_mem>>
        %dma_start3A_422 = tpu.memref_squeeze %dma_start3A_421 : memref<1x!tpu.dma_semaphore, #tpu.memory_space<semaphore_mem>> -> memref<!tpu.dma_semaphore, #tpu.memory_space<semaphore_mem>>
        tpu.enqueue_indirect_dma source(%dma_start3A_420 : memref<100000x128xf32, #tpu.memory_space<hbm>>) target(%dma_start3A_414 : memref<128x128xf32, #tpu.memory_space<vmem>>) offsets(%dma_start3A_417 : memref<128xi32, #tpu.memory_space<vmem>>) semaphore(%dma_start3A_422 : memref<!tpu.dma_semaphore, #tpu.memory_space<semaphore_mem>>)
      } else {
      }
      %add3A_346 = arith.constant 4 : i32
      %add3A_347 = arith.addi %add3A_176, %add3A_346 : i32
      %dma_wait3A_348 = arith.constant 0 : i32
      %dma_wait3A_349 = arith.constant 4 : i32
      %dma_wait3A_350 = arith.constant 4 : i32
      %dma_wait3A_351 = arith.constant 0 : i32
      %dma_wait3A_352 = arith.constant 0 : i32
      %dma_wait3A_353 = tpu.memref_slice %arg6[%dma_wait3A_349, %dma_wait3A_351, %dma_wait3A_352] : memref<5x128x128xf32, #tpu.memory_space<vmem>> -> memref<1x128x128xf32, #tpu.memory_space<vmem>>
      %dma_wait3A_354 = tpu.memref_squeeze %dma_wait3A_353 : memref<1x128x128xf32, #tpu.memory_space<vmem>> -> memref<128x128xf32, #tpu.memory_space<vmem>>
      %dma_wait3A_355 = arith.constant 0 : i32
      %dma_wait3A_356 = tpu.memref_slice %arg5[%dma_wait3A_348, %dma_wait3A_355] : memref<50x128xi32, #tpu.memory_space<vmem>> -> memref<1x128xi32, #tpu.memory_space<vmem>>
      %dma_wait3A_357 = tpu.memref_squeeze %dma_wait3A_356 : memref<1x128xi32, #tpu.memory_space<vmem>> -> memref<128xi32, #tpu.memory_space<vmem>>
      %dma_wait3A_358 = arith.constant 0 : i32
      %dma_wait3A_359 = arith.constant 0 : i32
      %dma_wait3A_360 = tpu.memref_slice %arg3[%dma_wait3A_358, %dma_wait3A_359] : memref<100000x128xf32, #tpu.memory_space<hbm>> -> memref<100000x128xf32, #tpu.memory_space<hbm>>
      %dma_wait3A_361 = tpu.memref_slice %arg7[%dma_wait3A_350] : memref<5x!tpu.dma_semaphore, #tpu.memory_space<semaphore_mem>> -> memref<1x!tpu.dma_semaphore, #tpu.memory_space<semaphore_mem>>
      %dma_wait3A_362 = tpu.memref_squeeze %dma_wait3A_361 : memref<1x!tpu.dma_semaphore, #tpu.memory_space<semaphore_mem>> -> memref<!tpu.dma_semaphore, #tpu.memory_space<semaphore_mem>>
      tpu.wait_indirect_dma semaphore(%dma_wait3A_362 : memref<!tpu.dma_semaphore, #tpu.memory_space<semaphore_mem>>) src(%dma_wait3A_360 : memref<100000x128xf32, #tpu.memory_space<hbm>>) dst(%dma_wait3A_354 : memref<128x128xf32, #tpu.memory_space<vmem>>)
      %mul3A_363 = arith.constant 4096 : i32
      %mul3A_364 = arith.muli %add3A_347, %mul3A_363 : i32
      %add3A_365 = arith.addi %mul3A_364, %mul3A_2 : i32
      %dma_start3A_366 = arith.constant 4 : i32
      %dma_start3A_367 = arith.constant 4 : i32
      %dma_start3A_368 = arith.constant 0 : i32
      %dma_start3A_369 = arith.constant 0 : i32
      %dma_start3A_370 = tpu.memref_slice %arg6[%dma_start3A_366, %dma_start3A_368, %dma_start3A_369] : memref<5x128x128xf32, #tpu.memory_space<vmem>> -> memref<1x128x128xf32, #tpu.memory_space<vmem>>
      %dma_start3A_371 = tpu.memref_squeeze %dma_start3A_370 : memref<1x128x128xf32, #tpu.memory_space<vmem>> -> memref<128x128xf32, #tpu.memory_space<vmem>>
      %dma_start3A_372 = arith.constant 0 : i32
      %dma_start3A_373 = tpu.memref_slice %arg4[%add3A_365, %dma_start3A_372] : memref<204800x128xf32, #tpu.memory_space<hbm>> -> memref<128x128xf32, #tpu.memory_space<hbm>>
      %dma_start3A_374 = tpu.memref_slice %arg8[%dma_start3A_367] : memref<5x!tpu.dma_semaphore, #tpu.memory_space<semaphore_mem>> -> memref<1x!tpu.dma_semaphore, #tpu.memory_space<semaphore_mem>>
      %dma_start3A_375 = tpu.memref_squeeze %dma_start3A_374 : memref<1x!tpu.dma_semaphore, #tpu.memory_space<semaphore_mem>> -> memref<!tpu.dma_semaphore, #tpu.memory_space<semaphore_mem>>
      %dma_start3A_376 = arith.constant 0 : i32
      %dma_start3A_377 = tpu.memref_slice %arg4[%add3A_365, %dma_start3A_376] : memref<204800x128xf32, #tpu.memory_space<hbm>> -> memref<128x128xf32, #tpu.memory_space<hbm>>
      %dma_start3A_378 = arith.constant 0 : i32
      %dma_start3A_379 = arith.constant 0 : i32
      %dma_start3A_380 = tpu.memref_slice %arg6[%dma_start3A_366, %dma_start3A_378, %dma_start3A_379] : memref<5x128x128xf32, #tpu.memory_space<vmem>> -> memref<1x128x128xf32, #tpu.memory_space<vmem>>
      %dma_start3A_381 = tpu.memref_squeeze %dma_start3A_380 : memref<1x128x128xf32, #tpu.memory_space<vmem>> -> memref<128x128xf32, #tpu.memory_space<vmem>>
      tpu.enqueue_dma source(%dma_start3A_381 : memref<128x128xf32, #tpu.memory_space<vmem>>) target(%dma_start3A_377 : memref<128x128xf32, #tpu.memory_space<hbm>>) target_semaphore(%dma_start3A_375 : memref<!tpu.dma_semaphore, #tpu.memory_space<semaphore_mem>>)
      %add3A_382 = arith.constant 5 : i32
      %add3A_383 = arith.addi %add3A_347, %add3A_382 : i32
      %lt3A_384 = arith.constant 50 : i32
      %lt3A_385 = arith.cmpi slt, %add3A_383, %lt3A_384 : i32
      %convert_element_type3A_386 = arith.extui %lt3A_385 : i1 to i32
      %cond3A_387 = arith.constant 0 : i32
      %cond3A_388 = arith.cmpi ne, %convert_element_type3A_386, %cond3A_387 : i32
      scf.if %cond3A_388 {
        %dma_wait3A_389 = arith.constant 4 : i32
        %dma_wait3A_390 = arith.constant 4 : i32
        %dma_wait3A_391 = arith.constant 0 : i32
        %dma_wait3A_392 = arith.constant 0 : i32
        %dma_wait3A_393 = tpu.memref_slice %arg6[%dma_wait3A_389, %dma_wait3A_391, %dma_wait3A_392] : memref<5x128x128xf32, #tpu.memory_space<vmem>> -> memref<1x128x128xf32, #tpu.memory_space<vmem>>
        %dma_wait3A_394 = tpu.memref_squeeze %dma_wait3A_393 : memref<1x128x128xf32, #tpu.memory_space<vmem>> -> memref<128x128xf32, #tpu.memory_space<vmem>>
        %dma_wait3A_395 = arith.constant 0 : i32
        %dma_wait3A_396 = arith.constant 0 : i32
        %dma_wait3A_397 = tpu.memref_slice %arg4[%dma_wait3A_395, %dma_wait3A_396] : memref<204800x128xf32, #tpu.memory_space<hbm>> -> memref<128x128xf32, #tpu.memory_space<hbm>>
        %dma_wait3A_398 = tpu.memref_slice %arg8[%dma_wait3A_390] : memref<5x!tpu.dma_semaphore, #tpu.memory_space<semaphore_mem>> -> memref<1x!tpu.dma_semaphore, #tpu.memory_space<semaphore_mem>>
        %dma_wait3A_399 = tpu.memref_squeeze %dma_wait3A_398 : memref<1x!tpu.dma_semaphore, #tpu.memory_space<semaphore_mem>> -> memref<!tpu.dma_semaphore, #tpu.memory_space<semaphore_mem>>
        %dma_wait3A_400 = arith.constant 0 : i32
        %dma_wait3A_401 = arith.constant 0 : i32
        %dma_wait3A_402 = tpu.memref_slice %arg4[%dma_wait3A_400, %dma_wait3A_401] : memref<204800x128xf32, #tpu.memory_space<hbm>> -> memref<128x128xf32, #tpu.memory_space<hbm>>
        %dma_wait3A_403 = arith.constant 0 : i32
        %dma_wait3A_404 = arith.constant 0 : i32
        %dma_wait3A_405 = tpu.memref_slice %arg6[%dma_wait3A_389, %dma_wait3A_403, %dma_wait3A_404] : memref<5x128x128xf32, #tpu.memory_space<vmem>> -> memref<1x128x128xf32, #tpu.memory_space<vmem>>
        %dma_wait3A_406 = tpu.memref_squeeze %dma_wait3A_405 : memref<1x128x128xf32, #tpu.memory_space<vmem>> -> memref<128x128xf32, #tpu.memory_space<vmem>>
        tpu.wait_dma2 semaphore(%dma_wait3A_399 : memref<!tpu.dma_semaphore, #tpu.memory_space<semaphore_mem>>) src(%dma_wait3A_406 : memref<128x128xf32, #tpu.memory_space<vmem>>) dst(%dma_wait3A_402 : memref<128x128xf32, #tpu.memory_space<hbm>>)
        %add3A_407 = arith.constant 5 : i32
        %add3A_408 = arith.addi %add3A_347, %add3A_407 : i32
        %dma_start3A_409 = arith.constant 4 : i32
        %dma_start3A_410 = arith.constant 4 : i32
        %dma_start3A_411 = arith.constant 0 : i32
        %dma_start3A_412 = arith.constant 0 : i32
        %dma_start3A_413 = tpu.memref_slice %arg6[%dma_start3A_409, %dma_start3A_411, %dma_start3A_412] : memref<5x128x128xf32, #tpu.memory_space<vmem>> -> memref<1x128x128xf32, #tpu.memory_space<vmem>>
        %dma_start3A_414 = tpu.memref_squeeze %dma_start3A_413 : memref<1x128x128xf32, #tpu.memory_space<vmem>> -> memref<128x128xf32, #tpu.memory_space<vmem>>
        %dma_start3A_415 = arith.constant 0 : i32
        %dma_start3A_416 = tpu.memref_slice %arg5[%add3A_408, %dma_start3A_415] : memref<50x128xi32, #tpu.memory_space<vmem>> -> memref<1x128xi32, #tpu.memory_space<vmem>>
        %dma_start3A_417 = tpu.memref_squeeze %dma_start3A_416 : memref<1x128xi32, #tpu.memory_space<vmem>> -> memref<128xi32, #tpu.memory_space<vmem>>
        %dma_start3A_418 = arith.constant 0 : i32
        %dma_start3A_419 = arith.constant 0 : i32
        %dma_start3A_420 = tpu.memref_slice %arg3[%dma_start3A_418, %dma_start3A_419] : memref<100000x128xf32, #tpu.memory_space<hbm>> -> memref<100000x128xf32, #tpu.memory_space<hbm>>
        %dma_start3A_421 = tpu.memref_slice %arg7[%dma_start3A_410] : memref<5x!tpu.dma_semaphore, #tpu.memory_space<semaphore_mem>> -> memref<1x!tpu.dma_semaphore, #tpu.memory_space<semaphore_mem>>
        %dma_start3A_422 = tpu.memref_squeeze %dma_start3A_421 : memref<1x!tpu.dma_semaphore, #tpu.memory_space<semaphore_mem>> -> memref<!tpu.dma_semaphore, #tpu.memory_space<semaphore_mem>>
        tpu.enqueue_indirect_dma source(%dma_start3A_420 : memref<100000x128xf32, #tpu.memory_space<hbm>>) target(%dma_start3A_414 : memref<128x128xf32, #tpu.memory_space<vmem>>) offsets(%dma_start3A_417 : memref<128xi32, #tpu.memory_space<vmem>>) semaphore(%dma_start3A_422 : memref<!tpu.dma_semaphore, #tpu.memory_space<semaphore_mem>>)
      } else {
      }
    }
    %scan3A_82 = arith.constant 10 : i32
    %dma_wait3A = arith.constant 0 : i32
    %dma_wait3A_83 = arith.constant 0 : i32
    %dma_wait3A_84 = arith.constant 0 : i32
    %dma_wait3A_85 = arith.constant 0 : i32
    %dma_wait3A_86 = tpu.memref_slice %arg6[%dma_wait3A, %dma_wait3A_84, %dma_wait3A_85] : memref<5x128x128xf32, #tpu.memory_space<vmem>> -> memref<1x128x128xf32, #tpu.memory_space<vmem>>
    %dma_wait3A_87 = tpu.memref_squeeze %dma_wait3A_86 : memref<1x128x128xf32, #tpu.memory_space<vmem>> -> memref<128x128xf32, #tpu.memory_space<vmem>>
    %dma_wait3A_88 = arith.constant 0 : i32
    %dma_wait3A_89 = arith.constant 0 : i32
    %dma_wait3A_90 = tpu.memref_slice %arg4[%dma_wait3A_88, %dma_wait3A_89] : memref<204800x128xf32, #tpu.memory_space<hbm>> -> memref<128x128xf32, #tpu.memory_space<hbm>>
    %dma_wait3A_91 = tpu.memref_slice %arg8[%dma_wait3A_83] : memref<5x!tpu.dma_semaphore, #tpu.memory_space<semaphore_mem>> -> memref<1x!tpu.dma_semaphore, #tpu.memory_space<semaphore_mem>>
    %dma_wait3A_92 = tpu.memref_squeeze %dma_wait3A_91 : memref<1x!tpu.dma_semaphore, #tpu.memory_space<semaphore_mem>> -> memref<!tpu.dma_semaphore, #tpu.memory_space<semaphore_mem>>
    %dma_wait3A_93 = arith.constant 0 : i32
    %dma_wait3A_94 = arith.constant 0 : i32
    %dma_wait3A_95 = tpu.memref_slice %arg4[%dma_wait3A_93, %dma_wait3A_94] : memref<204800x128xf32, #tpu.memory_space<hbm>> -> memref<128x128xf32, #tpu.memory_space<hbm>>
    %dma_wait3A_96 = arith.constant 0 : i32
    %dma_wait3A_97 = arith.constant 0 : i32
    %dma_wait3A_98 = tpu.memref_slice %arg6[%dma_wait3A, %dma_wait3A_96, %dma_wait3A_97] : memref<5x128x128xf32, #tpu.memory_space<vmem>> -> memref<1x128x128xf32, #tpu.memory_space<vmem>>
    %dma_wait3A_99 = tpu.memref_squeeze %dma_wait3A_98 : memref<1x128x128xf32, #tpu.memory_space<vmem>> -> memref<128x128xf32, #tpu.memory_space<vmem>>
    tpu.wait_dma2 semaphore(%dma_wait3A_92 : memref<!tpu.dma_semaphore, #tpu.memory_space<semaphore_mem>>) src(%dma_wait3A_99 : memref<128x128xf32, #tpu.memory_space<vmem>>) dst(%dma_wait3A_95 : memref<128x128xf32, #tpu.memory_space<hbm>>)
    %dma_wait3A_100 = arith.constant 1 : i32
    %dma_wait3A_101 = arith.constant 1 : i32
    %dma_wait3A_102 = arith.constant 0 : i32
    %dma_wait3A_103 = arith.constant 0 : i32
    %dma_wait3A_104 = tpu.memref_slice %arg6[%dma_wait3A_100, %dma_wait3A_102, %dma_wait3A_103] : memref<5x128x128xf32, #tpu.memory_space<vmem>> -> memref<1x128x128xf32, #tpu.memory_space<vmem>>
    %dma_wait3A_105 = tpu.memref_squeeze %dma_wait3A_104 : memref<1x128x128xf32, #tpu.memory_space<vmem>> -> memref<128x128xf32, #tpu.memory_space<vmem>>
    %dma_wait3A_106 = arith.constant 0 : i32
    %dma_wait3A_107 = arith.constant 0 : i32
    %dma_wait3A_108 = tpu.memref_slice %arg4[%dma_wait3A_106, %dma_wait3A_107] : memref<204800x128xf32, #tpu.memory_space<hbm>> -> memref<128x128xf32, #tpu.memory_space<hbm>>
    %dma_wait3A_109 = tpu.memref_slice %arg8[%dma_wait3A_101] : memref<5x!tpu.dma_semaphore, #tpu.memory_space<semaphore_mem>> -> memref<1x!tpu.dma_semaphore, #tpu.memory_space<semaphore_mem>>
    %dma_wait3A_110 = tpu.memref_squeeze %dma_wait3A_109 : memref<1x!tpu.dma_semaphore, #tpu.memory_space<semaphore_mem>> -> memref<!tpu.dma_semaphore, #tpu.memory_space<semaphore_mem>>
    %dma_wait3A_111 = arith.constant 0 : i32
    %dma_wait3A_112 = arith.constant 0 : i32
    %dma_wait3A_113 = tpu.memref_slice %arg4[%dma_wait3A_111, %dma_wait3A_112] : memref<204800x128xf32, #tpu.memory_space<hbm>> -> memref<128x128xf32, #tpu.memory_space<hbm>>
    %dma_wait3A_114 = arith.constant 0 : i32
    %dma_wait3A_115 = arith.constant 0 : i32
    %dma_wait3A_116 = tpu.memref_slice %arg6[%dma_wait3A_100, %dma_wait3A_114, %dma_wait3A_115] : memref<5x128x128xf32, #tpu.memory_space<vmem>> -> memref<1x128x128xf32, #tpu.memory_space<vmem>>
    %dma_wait3A_117 = tpu.memref_squeeze %dma_wait3A_116 : memref<1x128x128xf32, #tpu.memory_space<vmem>> -> memref<128x128xf32, #tpu.memory_space<vmem>>
    tpu.wait_dma2 semaphore(%dma_wait3A_110 : memref<!tpu.dma_semaphore, #tpu.memory_space<semaphore_mem>>) src(%dma_wait3A_117 : memref<128x128xf32, #tpu.memory_space<vmem>>) dst(%dma_wait3A_113 : memref<128x128xf32, #tpu.memory_space<hbm>>)
    %dma_wait3A_118 = arith.constant 2 : i32
    %dma_wait3A_119 = arith.constant 2 : i32
    %dma_wait3A_120 = arith.constant 0 : i32
    %dma_wait3A_121 = arith.constant 0 : i32
    %dma_wait3A_122 = tpu.memref_slice %arg6[%dma_wait3A_118, %dma_wait3A_120, %dma_wait3A_121] : memref<5x128x128xf32, #tpu.memory_space<vmem>> -> memref<1x128x128xf32, #tpu.memory_space<vmem>>
    %dma_wait3A_123 = tpu.memref_squeeze %dma_wait3A_122 : memref<1x128x128xf32, #tpu.memory_space<vmem>> -> memref<128x128xf32, #tpu.memory_space<vmem>>
    %dma_wait3A_124 = arith.constant 0 : i32
    %dma_wait3A_125 = arith.constant 0 : i32
    %dma_wait3A_126 = tpu.memref_slice %arg4[%dma_wait3A_124, %dma_wait3A_125] : memref<204800x128xf32, #tpu.memory_space<hbm>> -> memref<128x128xf32, #tpu.memory_space<hbm>>
    %dma_wait3A_127 = tpu.memref_slice %arg8[%dma_wait3A_119] : memref<5x!tpu.dma_semaphore, #tpu.memory_space<semaphore_mem>> -> memref<1x!tpu.dma_semaphore, #tpu.memory_space<semaphore_mem>>
    %dma_wait3A_128 = tpu.memref_squeeze %dma_wait3A_127 : memref<1x!tpu.dma_semaphore, #tpu.memory_space<semaphore_mem>> -> memref<!tpu.dma_semaphore, #tpu.memory_space<semaphore_mem>>
    %dma_wait3A_129 = arith.constant 0 : i32
    %dma_wait3A_130 = arith.constant 0 : i32
    %dma_wait3A_131 = tpu.memref_slice %arg4[%dma_wait3A_129, %dma_wait3A_130] : memref<204800x128xf32, #tpu.memory_space<hbm>> -> memref<128x128xf32, #tpu.memory_space<hbm>>
    %dma_wait3A_132 = arith.constant 0 : i32
    %dma_wait3A_133 = arith.constant 0 : i32
    %dma_wait3A_134 = tpu.memref_slice %arg6[%dma_wait3A_118, %dma_wait3A_132, %dma_wait3A_133] : memref<5x128x128xf32, #tpu.memory_space<vmem>> -> memref<1x128x128xf32, #tpu.memory_space<vmem>>
    %dma_wait3A_135 = tpu.memref_squeeze %dma_wait3A_134 : memref<1x128x128xf32, #tpu.memory_space<vmem>> -> memref<128x128xf32, #tpu.memory_space<vmem>>
    tpu.wait_dma2 semaphore(%dma_wait3A_128 : memref<!tpu.dma_semaphore, #tpu.memory_space<semaphore_mem>>) src(%dma_wait3A_135 : memref<128x128xf32, #tpu.memory_space<vmem>>) dst(%dma_wait3A_131 : memref<128x128xf32, #tpu.memory_space<hbm>>)
    %dma_wait3A_136 = arith.constant 3 : i32
    %dma_wait3A_137 = arith.constant 3 : i32
    %dma_wait3A_138 = arith.constant 0 : i32
    %dma_wait3A_139 = arith.constant 0 : i32
    %dma_wait3A_140 = tpu.memref_slice %arg6[%dma_wait3A_136, %dma_wait3A_138, %dma_wait3A_139] : memref<5x128x128xf32, #tpu.memory_space<vmem>> -> memref<1x128x128xf32, #tpu.memory_space<vmem>>
    %dma_wait3A_141 = tpu.memref_squeeze %dma_wait3A_140 : memref<1x128x128xf32, #tpu.memory_space<vmem>> -> memref<128x128xf32, #tpu.memory_space<vmem>>
    %dma_wait3A_142 = arith.constant 0 : i32
    %dma_wait3A_143 = arith.constant 0 : i32
    %dma_wait3A_144 = tpu.memref_slice %arg4[%dma_wait3A_142, %dma_wait3A_143] : memref<204800x128xf32, #tpu.memory_space<hbm>> -> memref<128x128xf32, #tpu.memory_space<hbm>>
    %dma_wait3A_145 = tpu.memref_slice %arg8[%dma_wait3A_137] : memref<5x!tpu.dma_semaphore, #tpu.memory_space<semaphore_mem>> -> memref<1x!tpu.dma_semaphore, #tpu.memory_space<semaphore_mem>>
    %dma_wait3A_146 = tpu.memref_squeeze %dma_wait3A_145 : memref<1x!tpu.dma_semaphore, #tpu.memory_space<semaphore_mem>> -> memref<!tpu.dma_semaphore, #tpu.memory_space<semaphore_mem>>
    %dma_wait3A_147 = arith.constant 0 : i32
    %dma_wait3A_148 = arith.constant 0 : i32
    %dma_wait3A_149 = tpu.memref_slice %arg4[%dma_wait3A_147, %dma_wait3A_148] : memref<204800x128xf32, #tpu.memory_space<hbm>> -> memref<128x128xf32, #tpu.memory_space<hbm>>
    %dma_wait3A_150 = arith.constant 0 : i32
    %dma_wait3A_151 = arith.constant 0 : i32
    %dma_wait3A_152 = tpu.memref_slice %arg6[%dma_wait3A_136, %dma_wait3A_150, %dma_wait3A_151] : memref<5x128x128xf32, #tpu.memory_space<vmem>> -> memref<1x128x128xf32, #tpu.memory_space<vmem>>
    %dma_wait3A_153 = tpu.memref_squeeze %dma_wait3A_152 : memref<1x128x128xf32, #tpu.memory_space<vmem>> -> memref<128x128xf32, #tpu.memory_space<vmem>>
    tpu.wait_dma2 semaphore(%dma_wait3A_146 : memref<!tpu.dma_semaphore, #tpu.memory_space<semaphore_mem>>) src(%dma_wait3A_153 : memref<128x128xf32, #tpu.memory_space<vmem>>) dst(%dma_wait3A_149 : memref<128x128xf32, #tpu.memory_space<hbm>>)
    %dma_wait3A_154 = arith.constant 4 : i32
    %dma_wait3A_155 = arith.constant 4 : i32
    %dma_wait3A_156 = arith.constant 0 : i32
    %dma_wait3A_157 = arith.constant 0 : i32
    %dma_wait3A_158 = tpu.memref_slice %arg6[%dma_wait3A_154, %dma_wait3A_156, %dma_wait3A_157] : memref<5x128x128xf32, #tpu.memory_space<vmem>> -> memref<1x128x128xf32, #tpu.memory_space<vmem>>
    %dma_wait3A_159 = tpu.memref_squeeze %dma_wait3A_158 : memref<1x128x128xf32, #tpu.memory_space<vmem>> -> memref<128x128xf32, #tpu.memory_space<vmem>>
    %dma_wait3A_160 = arith.constant 0 : i32
    %dma_wait3A_161 = arith.constant 0 : i32
    %dma_wait3A_162 = tpu.memref_slice %arg4[%dma_wait3A_160, %dma_wait3A_161] : memref<204800x128xf32, #tpu.memory_space<hbm>> -> memref<128x128xf32, #tpu.memory_space<hbm>>
    %dma_wait3A_163 = tpu.memref_slice %arg8[%dma_wait3A_155] : memref<5x!tpu.dma_semaphore, #tpu.memory_space<semaphore_mem>> -> memref<1x!tpu.dma_semaphore, #tpu.memory_space<semaphore_mem>>
    %dma_wait3A_164 = tpu.memref_squeeze %dma_wait3A_163 : memref<1x!tpu.dma_semaphore, #tpu.memory_space<semaphore_mem>> -> memref<!tpu.dma_semaphore, #tpu.memory_space<semaphore_mem>>
    %dma_wait3A_165 = arith.constant 0 : i32
    %dma_wait3A_166 = arith.constant 0 : i32
    %dma_wait3A_167 = tpu.memref_slice %arg4[%dma_wait3A_165, %dma_wait3A_166] : memref<204800x128xf32, #tpu.memory_space<hbm>> -> memref<128x128xf32, #tpu.memory_space<hbm>>
    %dma_wait3A_168 = arith.constant 0 : i32
    %dma_wait3A_169 = arith.constant 0 : i32
    %dma_wait3A_170 = tpu.memref_slice %arg6[%dma_wait3A_154, %dma_wait3A_168, %dma_wait3A_169] : memref<5x128x128xf32, #tpu.memory_space<vmem>> -> memref<1x128x128xf32, #tpu.memory_space<vmem>>
    %dma_wait3A_171 = tpu.memref_squeeze %dma_wait3A_170 : memref<1x128x128xf32, #tpu.memory_space<vmem>> -> memref<128x128xf32, #tpu.memory_space<vmem>>
    tpu.wait_dma2 semaphore(%dma_wait3A_164 : memref<!tpu.dma_semaphore, #tpu.memory_space<semaphore_mem>>) src(%dma_wait3A_171 : memref<128x128xf32, #tpu.memory_space<vmem>>) dst(%dma_wait3A_167 : memref<128x128xf32, #tpu.memory_space<hbm>>)
    return
  }
}

</mosaic_0001>

<sc_bundles>
// kernel: kernel.3.cloned.1.call-start
scs
__scs_entry_jumppad:
0x0: {  	(pc) =	sbr.rel $0x88, $3  }
0x1: {  	(tag) =	ssettag $0x0;
	lr =	simm.s32 $0x1  }
0x2: {  	[smem:$0x3F9F] =	sst lr;
	_ =	strace $0xD0000000  }
0x3: {  	_ = 	snop  }
0x4: {  	_ = 	snop  }
0x5: {  	_ = 	snop  }
0x6: {  	_ = 	snop  }
0x7: {  	_ = 	snop  }
__scs_overlays_trampoline_lowered:
0x8: {  	[smem:$0x3FAE] =	sst s0  }
0x9: {  	[smem:$0x3FAF] =	sst s1  }
0xa: {  	[smem:$0x3FB0] =	sst s2  }
0xb: {  	[smem:$0x3FB1] =	sst s3  }
0xc: {  	[smem:$0x3FB2] =	sst s4  }
0xd: {  	[smem:$0x3FB3] =	sst s5  }
0xe: {  	[smem:$0x3FB4] =	sst s6  }
0xf: {  	[smem:$0x3FB5] =	sst s7  }
0x10: {  	[smem:$0x3FB6] =	sst s8  }
0x11: {  	[smem:$0x3FB7] =	sst s9;
	s0 =	simm.s32 @!p0 $0x0  }
0x12: {  	s1 =	sld [smem:$0x3F9D];
	s0 =	simm.s32 @p0 $0x1  }
0x13: {  	[smem:$0x3FB8] =	sst s0;
	s0 =	simm.s32 @!p1 $0x0  }
0x14: {  	s2 =	sld [smem:$0x3F9C];
	s0 =	simm.s32 @p1 $0x1  }
0x15: {  	[smem:$0x3FB9] =	sst s0;
	s0 =	simm.s32 @!p2 $0x0  }
0x16: {  	s3 =	sld [smem:$0x3FDB];
	s0 =	simm.s32 @p2 $0x1  }
0x17: {  	s4 =	simm.s32 $0x1BF5;
	[smem:$0x3FBB] =	sst s0  }
0x18: {  	s0 =	sld [smem:$0x3F9E];
	_ =	swait.ge [sflag:s4], $0x0  }
0x19: {  	s7 =	sld [smem:$0x3F9F]  }
0x1a: {  	s8 =	sadd.s32 $0xFFFFE003, lr  }
0x1b: {  	s9 =	sadd.s32 $0xFFFFFEF7, lr;
	s5 =	simm.s32 $0xFFFFFFFF;
	p2 =	slt.u32 s8, $0xFFFFF086  }
0x1c: {  	p1 =	slt.u32 s9, $0xF7A;
	s5 =	simm.s32 @!p2 $0x0  }
0x1d: {  	s5 =	simm.s32 @p1 $0x1;
	p0 =	seq.s32 s7, s2  }
0x1e: {  	s7 =	smul.u32 @!p0 $0xF7A, s2;
	p2 =	seq.s32 @!p0 s5, $0x0  }
0x1f: {  	s9 =	smul.u32 $0xF7A, s1;
	s8 =	simm.s32 @!p0 $0x1BF5;
	p2 =	por !p2, p0  }
0x20: {  	[sflag:s8] =	ssyncset.s32 @!p0 $0xFFFFF086;
	s6 =	sadd.s32 @!p0 s3, s7;
	s7 =	simm.s32 @!p0 $0x108  }
0x21: {  	s3 =	sadd.s32 s3, s9;
	s6 =	sadd.s32 @!p0 $0x88, s6;
	s7 =	simm.s32 @p2 $0x1082  }
0x22: {  	[simem:s7], [sflag:s8] =	dma.local @!p0 [hbm:s6], $0xF7A  }
0x23: {  	s9 =	sor.u32 $0xD0000000, s2;
	s6 =	simm.s32 $0x108;
	_ =	swait.ge @!p0 [sflag:s8], $0x0  }
0x24: {  	s3 =	sadd.s32 $0x88, s3;
	s6 =	simm.s32 @!p1 $0x1082;
	[sflag:s4] =	ssyncset.s32 $0xFFFFF086  }
0x25: {  	[simem:s6], [sflag:s4] =	dma.local [hbm:s3], $0xF7A  }
0x26: {  	[smem:$0x3F9F] =	sst s1;
	(tag) =	ssettag s2;
	_ =	strace s9  }
0x27: {  	s1 =	sld [smem:$0x3FAF]  }
0x28: {  	s2 =	sld [smem:$0x3FB0]  }
0x29: {  	s4 =	sld [smem:$0x3FB2]  }
0x2a: {  	p0 =	seq.s32 s5, $0x0;
	s5 =	sld [smem:$0x3FB3]  }
0x2b: {  	s6 =	sld [smem:$0x3FB4]  }
0x2c: {  	s7 =	sld [smem:$0x3FB5]  }
0x2d: {  	s3 =	simm.s32 $0x108;
	s8 =	sld [smem:$0x3FB6]  }
0x2e: {  	s3 =	simm.s32 @!p0 $0x1082;
	s9 =	sld [smem:$0x3FB7]  }
0x2f: {  	lr =	sadd.s32 s0, s3;
	s0 =	sld [smem:$0x3FAE]  }
0x30: {  	s3 =	sld [smem:$0x3FB1]  }
0x31: {  	[smem:$0x3FBA] =	sst s10  }
0x32: {  	s10 =	sld [smem:$0x3FB8];
	_ =	sdelay $0x3  }
0x33: {  	p0 =	seq.s32 s10, $0x1;
	s10 =	sld [smem:$0x3FBA];
	_ =	sdelay $0x3  }
0x34: {  	[smem:$0x3FBA] =	sst s10  }
0x35: {  	s10 =	sld [smem:$0x3FB9];
	_ =	sdelay $0x3  }
0x36: {  	p1 =	seq.s32 s10, $0x1;
	s10 =	sld [smem:$0x3FBA];
	_ =	sdelay $0x3  }
0x37: {  	[smem:$0x3FBA] =	sst s10  }
0x38: {  	s10 =	sld [smem:$0x3FBB]  }
0x39: {  	_ = 	snop;
	(pc) =	sbr.ind lr, $3  }
0x3a: {  	_ = 	snop  }
0x3b: {  	_ = 	snop  }
0x3c: {  	p2 =	seq.s32 s10, $0x1;
	s10 =	sld [smem:$0x3FBA]  }
0x3d: {  	_ =	shalt  }
0x3e: {  	_ =	shalt  }
0x3f: {  	_ =	shalt  }
0x40: {  	_ =	shalt  }
0x41: {  	_ =	shalt  }
0x42: {  	_ =	shalt  }
0x43: {  	_ =	shalt  }
0x44: {  	_ =	shalt  }
0x45: {  	_ =	shalt  }
0x46: {  	_ =	shalt  }
0x47: {  	_ =	shalt  }
0x48: {  	_ =	shalt  }
0x49: {  	_ =	shalt  }
0x4a: {  	_ =	shalt  }
0x4b: {  	_ =	shalt  }
0x4c: {  	_ =	shalt  }
0x4d: {  	_ =	shalt  }
0x4e: {  	_ =	shalt  }
0x4f: {  	_ =	shalt  }
0x50: {  	_ =	shalt  }
0x51: {  	_ =	shalt  }
0x52: {  	_ =	shalt  }
0x53: {  	_ =	shalt  }
0x54: {  	_ =	shalt  }
0x55: {  	_ =	shalt  }
0x56: {  	_ =	shalt  }
0x57: {  	_ =	shalt  }
0x58: {  	_ =	shalt  }
0x59: {  	_ =	shalt  }
0x5a: {  	_ =	shalt  }
0x5b: {  	_ =	shalt  }
0x5c: {  	_ =	shalt  }
0x5d: {  	_ =	shalt  }
0x5e: {  	_ =	shalt  }
0x5f: {  	_ =	shalt  }
0x60: {  	_ =	shalt  }
0x61: {  	_ =	shalt  }
0x62: {  	_ =	shalt  }
0x63: {  	_ =	shalt  }
0x64: {  	_ =	shalt  }
0x65: {  	_ =	shalt  }
0x66: {  	_ =	shalt  }
0x67: {  	_ =	shalt  }
0x68: {  	_ =	shalt  }
0x69: {  	_ =	shalt  }
0x6a: {  	_ =	shalt  }
0x6b: {  	_ =	shalt  }
0x6c: {  	_ =	shalt  }
0x6d: {  	_ =	shalt  }
0x6e: {  	_ =	shalt  }
0x6f: {  	_ =	shalt  }
0x70: {  	_ =	shalt  }
0x71: {  	_ =	shalt  }
0x72: {  	_ =	shalt  }
0x73: {  	_ =	shalt  }
0x74: {  	_ =	shalt  }
0x75: {  	_ =	shalt  }
0x76: {  	_ =	shalt  }
0x77: {  	_ =	shalt  }
0x78: {  	_ =	shalt  }
0x79: {  	_ =	shalt  }
0x7a: {  	_ =	shalt  }
0x7b: {  	_ =	shalt  }
0x7c: {  	_ =	shalt  }
0x7d: {  	_ =	shalt  }
0x7e: {  	_ =	shalt  }
0x7f: {  	_ =	shalt  }
0x80: {  	_ =	shalt  }
0x81: {  	_ =	shalt  }
0x82: {  	_ =	shalt  }
0x83: {  	_ =	shalt  }
0x84: {  	_ =	shalt  }
0x85: {  	_ =	shalt  }
0x86: {  	_ =	shalt  }
0x87: {  	_ =	shalt  }
.Lfunc_end0:
.L_simem_size_0:
called_computation_lowered:
.L_overlay_start_0:
0x88: {  	s2 =	sld [smem:$0x3FD9]  }
0x89: {  	s3 =	sld [smem:$0x3FFE];
	_ =	sdelay $0x1  }
0x8a: {  	s1 =	srdreg.scid  }
0x8b: {  	s0 =	sand.u32 $0x1, s1  }
0x8c: {  	s18 =	sshll.u32 s0, $0xA;
	s2 =	sadd.s32 s3, s2  }
0x8d: {  	s2 =	sadd.s32 s2, s18  }
0x8e: {  	[smem:$0x3FC6] =	sst s2  }
0x8f: {  	_ = 	snop  }
0x90: {  	s2 =	sld [smem:$0x3FC9]  }
0x91: {  	s19 =	sld [smem:$0x3FC8]  }
0x92: {  	s4 =	sld [smem:$0x3FD0];
	(tm) =	ssettm $0x1  }
0x93: {  	s5 =	sld [smem:$0x3FFB];
	_ =	sdelay $0x3  }
0x94: {  	_ =	strace s5  }
0x95: {  	s5 =	sld [smem:$0x3FFC];
	_ =	sdelay $0x3  }
0x96: {  	_ =	strace s5  }
0x97: {  	s5 =	sld [smem:$0x3FFD];
	_ =	sdelay $0x3  }
0x98: {  	_ =	strace s5  }
0x99: {  	_ =	strace $0x8FFFFFFF  }
0x9a: {  	s20 =	sld [smem:$0x3FDB];
	_ =	sdelay $0x1  }
0x9b: {  	s6 =	simm.s32 $_scs_section_size  }
0x9c: {  	s7 =	simm.s32 $_size__tile_overlayer_lowered;
	s8 =	simm.s32 $_tile_overlayer_lowered  }
0x9d: {  	s23 =	simm.s32 $0x1BFF;
	s22 =	sshll.u32 s8, $0x1;
	s5 =	sadd.s32 s6, s20  }
0x9e: {  	s9 =	simm.s32 $0x0;
	s21 =	sshll.u32 s7, $0x1;
	s7 =	sadd.s32 s22, s5  }
0x9f: {  	[timem:s9], [sflag:s23] =	dma.local [hbm:s7], s21  }
0xa0: {  	_ =	swait.ge [sflag:s23], s21  }
0xa1: {  	s6 =	ssub.s32 $0x0, s21;
	[sflag:s23] =	ssyncset.done $0x0  }
0xa2: {  	[sflag:s23] =	ssyncadd.s32 s6;
	_ =	sdelay $0x1  }
0xa3: {  	s24 =	simm.s32 $0x1B8B  }
0xa4: {  	_ =	swait.ge [sflag:s24], $0x1  }
0xa5: {  	[sflag:s24] =	ssyncset.done $0x0  }
0xa6: {  	s25 =	simm.s32 $0x1B8E;
	[sflag:s24] =	ssyncadd.s32 $0xFFFFFFFF  }
0xa7: {  	s26 =	simm.s32 $execute0_lowered;
	[smem:$0x3FD2] =	sst s25  }
0xa8: {  	s6 =	sshll.u32 s26, $0x1;
	_ =	strace $0x80000046;
	[dreg:$0x1] =	wrdreg $0xFFFFFFFF  }
0xa9: {  	s28 =	simm.s32 $_size_execute0_lowered;
	s5 =	sadd.s32 s5, s6;
	[dreg:$0x0] =	wrdreg $0x0  }
0xaa: {  	s6 =	sshll.u32 s28, $0x1;
	[dreg:$0x2] =	wrdreg s5  }
0xab: {  	[dreg:$0x3] =	wrdreg s6  }
0xac: {  	[dreg:$0x4] =	wrdreg $0xC0  }
0xad: {  	_ =	task [dreg:s9], $0x5FFFF  }
0xae: {  	[dreg:$0x1] =	wrdreg $0xFFFFFFFF  }
0xaf: {  	[dreg:$0x0] =	wrdreg $0x60  }
0xb0: {  	[dreg:$0x2] =	wrdreg s2  }
0xb1: {  	[dreg:$0x3] =	wrdreg s19  }
0xb2: {  	[dreg:$0x4] =	wrdreg s4  }
0xb3: {  	[dreg:$0x5] =	wrdreg $0x9  }
0xb4: {  	_ =	task.clear_ibuf [dreg:s9], $0x6FFFF;
	_ =	strace $0x90000046  }
0xb5: {  	s29 =	simm.s32 $0x9;
	_ =	strace $0x80000048  }
0xb6: {  	_ =	swait.ge [sflag:s29], $0x1  }
0xb7: {  	[sflag:s29] =	ssyncadd.s32 $0xFFFFFFFF  }
0xb8: {  	_ =	strace $0x90000048  }
0xb9: {  	_ =	sfence  }
0xba: {  	s30 =	sld [smem:$0x0];
	_ =	sdelay $0x2  }
0xbb: {  	s31 =	sshll.u32 s1, $0xD;
	s1 =	sshrl.u32 s1, $0x2  }
0xbc: {  	s3 =	sand.u32 $0x4000, s31;
	s1 =	sadd.s32 s1, s30  }
0xbd: {  	s0 =	sor.u32 s3, s0;
	s1 =	sshll.u32 s1, $0x11  }
0xbe: {  	s0 =	sor.u32 s1, s0  }
0xbf: {  	s0 =	sadd.s32 $0x8F2B, s0  }
0xc0: {  	[sflag:s0] =	ssyncadd.remote.s32 $0x1  }
0xc1: {  	_ =	sfence.sel $0xFFFF  }
0xc2: {  	[dreg:$0x0] =	wrdreg $0xFFFFFFFF;
	(pc) =	sbr.abs _section_cstart, $3  }
0xc3: {  	[dreg:$0x1] =	wrdreg $0xFFFFFFFF  }
0xc4: {  	_ =	task.clear_ibuf [dreg:s9], $0x2FFFF;
	_ =	strace $0x9FFFFFFF  }
0xc5: {  	(tm) =	ssettm $0x7FFFFFFF  }
tec
execute0_lowered:
.L_overlay_start_1:
0x0: {  	(tag) =	ssettag $0x1  }
0x1: {  	s0 =	rddreg [dreg:$0x0]  }
0x2: {  	s2 =	rddreg [dreg:$0x1]  }
0x3: {  	s1 =	rddreg [dreg:$0x2]  }
0x4: {  	s3 =	srdreg.scid;
	s9 =	stileid.u32;
	s13 =	simm.s32 $0xB  }
0x5: {  	s14 =	simm.s32 $0x80;
	s15 =	simm.s32 $0x1C00;
	s18 =	simm.s32 $0x9C00  }
0x6: {  	s21 =	simm.s32 $0x200;
	s22 =	simm.s32 $0x11C00;
	s28 =	simm.s32 $0x7  }
0x7: {  	s29 =	simm.s32 $0x8;
	s30 =	simm.s32 $0x9;
	s31 =	simm.s32 $0xA  }
0x8: {  	s8 =	sand.u32 $0x1, s3;
	s3 =	simm.s32 $0x0;
	s4 =	sshll.u32 s9, $0x8  }
0x9: {  	s9 =	sshll.u32 s9, $0xC;
	s5 =	sshll.u32 s8, $0x7;
	[smem:$0x7FF] =	sst s3  }
0xa: {  	s6 =	ssub.s32 $0x2, s8;
	s26 =	sshll.u32 s8, $0xB;
	s7 =	sor.u32 s5, s4  }
0xb: {  	_ =	strace $0x80000047;
	s23 =	sshrl.u32 s6, $0x1;
	s4 =	sadd.s32 s0, s7  }
.Ltmp0:
0xc: {  	s24 =	ssub.s32 s6, s23;
	s7 =	sshll.u32 s7, $0x4;
	(pc) =	sbr.rel .LBB2_1-.Ltmp0, $4  }
0xd: {  	s23 =	simm.s32 $0x1;
	s0 =	simm.s32 $0x0;
	s5 =	sadd.s32 $0x6000, s4  }
0xe: {  	s6 =	smax.u32 s24, $0x1;
	s25 =	sadd.s32 s7, s1;
	s1 =	sadd.s32 s9, s1  }
0xf: {  	s24 =	simm.s32 $0x3;
	s7 =	sadd.s32 $0x2E0000, s25;
	s8 =	sadd.s32 $0x300000, s25  }
0x10: {  	s1 =	sadd.s32 s26, s1;
	s25 =	simm.s32 $0x5;
	s26 =	simm.s32 $0x6  }
.LBB2_4:
0x11: {  	_ =	swait.ge [sflag:s26], $0x4000  }
0x12: {  	[sflag:s26] =	ssyncset.done $0x0  }
0x13: {  	[sflag:s26] =	ssyncadd.s32 $0xFFFFC000  }
0x14: {  	_ =	swait.ge [sflag:s28], $0x4000  }
0x15: {  	[sflag:s28] =	ssyncset.done $0x0  }
0x16: {  	[sflag:s28] =	ssyncadd.s32 $0xFFFFC000  }
0x17: {  	_ =	swait.ge [sflag:s29], $0x4000  }
0x18: {  	[sflag:s29] =	ssyncset.done $0x0  }
0x19: {  	s0 =	sadd.s32 $0x1, s0;
	[sflag:s29] =	ssyncadd.s32 $0xFFFFC000  }
0x1a: {  	p0 =	sne.s32 s0, s6;
	_ =	swait.ge [sflag:s30], $0x4000  }
.Ltmp1:
0x1b: {  	[sflag:s30] =	ssyncset.done $0x0;
	(pc) =	sbr.rel @!p0 .LBB2_5-.Ltmp1, $4  }
0x1c: {  	[sflag:s30] =	ssyncadd.s32 $0xFFFFC000  }
0x1d: {  	_ =	swait.ge [sflag:s31], $0x4000  }
0x1e: {  	[sflag:s31] =	ssyncset.done $0x0  }
0x1f: {  	[sflag:s31] =	ssyncadd.s32 $0xFFFFC000  }
.LBB2_1:
0x20: {  	s9 =	simm.s32 $0x400;
	s10 =	simm.s32 $0x8000  }
0x21: {  	[tilespmem:s3], [sflag:$0xB] =	stream.strided.gather [hbm4b:s4+s9], $0x1800, s10, s9, $0x38;
	[tilespmem:$0x15C00] =	vst v63  }
0x22: {  	s12 =	simm.s32 $0x1800  }
0x23: {  	[tilespmem:s12], [sflag:$0xB] =	stream.linear.gather [hbm4b:s5+s3], $0x100, $0x38;
	[tilespmem:$0x15C00] =	vst v63  }
0x24: {  	_ =	swait.ge [sflag:s13], $0x1900  }
0x25: {  	[sflag:s13] =	ssyncset.done $0x0  }
0x26: {  	[sflag:s13] =	ssyncadd.s32 $0xFFFFE700  }
0x27: {  	[tilespmem:s15], [sflag:$0x1] =	stream.indirect.gather [hbm4b:s2+s14], $0x80, s3, s14, $0xb8;
	[tilespmem:$0x15C00] =	vst v63  }
0x28: {  	s16 =	simm.s32 $0x5C00  }
0x29: {  	[tilespmem:s16], [sflag:$0x2] =	stream.indirect.gather [hbm4b:s2+s14], $0x80, s14, s14, $0xb8;
	[tilespmem:$0x15C00] =	vst v63  }
0x2a: {  	s17 =	simm.s32 $0x100  }
0x2b: {  	[tilespmem:s18], [sflag:$0x3] =	stream.indirect.gather [hbm4b:s2+s14], $0x80, s17, s14, $0xb8;
	[tilespmem:$0x15C00] =	vst v63  }
0x2c: {  	s19 =	simm.s32 $0x180;
	s20 =	simm.s32 $0xDC00  }
0x2d: {  	[tilespmem:s20], [sflag:$0x4] =	stream.indirect.gather [hbm4b:s2+s14], $0x80, s19, s14, $0xb8;
	[tilespmem:$0x15C00] =	vst v63  }
0x2e: {  	s9 =	smov.u32 s1;
	s10 =	simm.s32 $0x0  }
0x2f: {  	[tilespmem:s22], [sflag:$0x5] =	stream.indirect.gather [hbm4b:s2+s14], $0x80, s21, s14, $0xb8;
	[tilespmem:$0x15C00] =	vst v63  }
.LBB2_2:
0x30: {  	_ =	swait.ge [sflag:s23], $0x4000  }
0x31: {  	p0 =	seq.s32 s10, $0x5A00;
	[sflag:s23] =	ssyncset.done $0x0  }
0x32: {  	s11 =	simm.s32 @p0 $0x2;
	[sflag:s23] =	ssyncadd.s32 $0xFFFFC000  }
0x33: {  	[hbm4b:s9+s3] =	stream.linear.scatter [tilespmem:s15], [sflag:$0x6], $0x4000, $0x38;
	[tilespmem:$0x15C00] =	vst v63  }
0x34: {  	_ =	swait.ge @p0 [sflag:s11], $0x4000  }
0x35: {  	[sflag:s11] =	ssyncset.done @p0 $0x0  }
0x36: {  	s12 =	simm.s32 @p0 $0x5C00;
	[sflag:s11] =	ssyncadd.s32 @p0 $0xFFFFC000;
	s11 =	simm.s32 @p0 $0x0  }
0x37: {  	[hbm4b:s7+s11] =	stream.linear.scatter @p0 [tilespmem:s12], [sflag:$0x7], $0x4000, $0x38;
	[tilespmem:$0x15C00] =	vst v63  }
0x38: {  	s12 =	simm.s32 @!p0 $0x6  }
0x39: {  	_ =	swait.ge @!p0 [sflag:s12], $0x4000  }
0x3a: {  	[sflag:s12] =	ssyncset.done @!p0 $0x0  }
0x3b: {  	[sflag:s12] =	ssyncadd.s32 @!p0 $0xFFFFC000;
	s12 =	sshra.s32 @!p0 s10, $0x2  }
0x3c: {  	s17 =	simm.s32 @!p0 $0x80;
	s19 =	simm.s32 @!p0 $0x1C00;
	s16 =	sadd.s32 @!p0 $0x280, s12  }
0x3d: {  	[tilespmem:s19], [sflag:$0x1] =	stream.indirect.gather @!p0 [hbm4b:s2+s17], $0x80, s16, s17, $0xb8;
	[tilespmem:$0x15C00] =	vst v63  }
0x3e: {  	s16 =	simm.s32 @!p0 $0x2  }
0x3f: {  	_ =	swait.ge @!p0 [sflag:s16], $0x4000  }
0x40: {  	s20 =	simm.s32 @!p0 $0x5C00;
	[sflag:s16] =	ssyncset.done @!p0 $0x0  }
0x41: {  	s19 =	simm.s32 @!p0 $0x0;
	[sflag:s16] =	ssyncadd.s32 @!p0 $0xFFFFC000;
	s16 =	sadd.s32 @!p0 $0x10000, s9  }
0x42: {  	[hbm4b:s16+s19] =	stream.linear.scatter @!p0 [tilespmem:s20], [sflag:$0x7], $0x4000, $0x38;
	[tilespmem:$0x15C00] =	vst v63  }
0x43: {  	s16 =	simm.s32 @!p0 $0x7  }
0x44: {  	_ =	swait.ge @!p0 [sflag:s16], $0x4000  }
0x45: {  	[sflag:s16] =	ssyncset.done @!p0 $0x0  }
0x46: {  	[sflag:s16] =	ssyncadd.s32 @!p0 $0xFFFFC000;
	s16 =	sadd.s32 @!p0 $0x300, s12  }
0x47: {  	[tilespmem:s20], [sflag:$0x2] =	stream.indirect.gather @!p0 [hbm4b:s2+s17], $0x80, s16, s17, $0xb8;
	[tilespmem:$0x15C00] =	vst v63  }
0x48: {  	_ =	swait.ge [sflag:s24], $0x4000  }
0x49: {  	[sflag:s24] =	ssyncset.done $0x0  }
0x4a: {  	s20 =	sadd.s32 $0x20000, s9;
	s16 =	simm.s32 @p0 $0x4;
	[sflag:s24] =	ssyncadd.s32 $0xFFFFC000  }
0x4b: {  	[hbm4b:s20+s3] =	stream.linear.scatter [tilespmem:s18], [sflag:$0x8], $0x4000, $0x38;
	[tilespmem:$0x15C00] =	vst v63  }
0x4c: {  	_ =	swait.ge @p0 [sflag:s16], $0x4000  }
0x4d: {  	[sflag:s16] =	ssyncset.done @p0 $0x0  }
0x4e: {  	[sflag:s16] =	ssyncadd.s32 @p0 $0xFFFFC000;
	s16 =	simm.s32 @p0 $0xDC00  }
0x4f: {  	[hbm4b:s8+s11] =	stream.linear.scatter @p0 [tilespmem:s16], [sflag:$0x9], $0x4000, $0x38;
	[tilespmem:$0x15C00] =	vst v63  }
0x50: {  	s11 =	simm.s32 @!p0 $0x8  }
0x51: {  	_ =	swait.ge @!p0 [sflag:s11], $0x4000  }
0x52: {  	[sflag:s11] =	ssyncset.done @!p0 $0x0  }
0x53: {  	s16 =	simm.s32 @!p0 $0x9C00;
	[sflag:s11] =	ssyncadd.s32 @!p0 $0xFFFFC000;
	s11 =	sadd.s32 @!p0 $0x380, s12  }
0x54: {  	[tilespmem:s16], [sflag:$0x3] =	stream.indirect.gather @!p0 [hbm4b:s2+s17], $0x80, s11, s17, $0xb8;
	[tilespmem:$0x15C00] =	vst v63  }
0x55: {  	s11 =	simm.s32 @!p0 $0x4  }
0x56: {  	_ =	swait.ge @!p0 [sflag:s11], $0x4000  }
0x57: {  	[sflag:s11] =	ssyncset.done @!p0 $0x0  }
0x58: {  	s16 =	simm.s32 @!p0 $0xDC00;
	[sflag:s11] =	ssyncadd.s32 @!p0 $0xFFFFC000;
	s11 =	sadd.s32 @!p0 $0x30000, s9  }
0x59: {  	[hbm4b:s11+s19] =	stream.linear.scatter @!p0 [tilespmem:s16], [sflag:$0x9], $0x4000, $0x38;
	[tilespmem:$0x15C00] =	vst v63  }
0x5a: {  	s11 =	simm.s32 @!p0 $0x9  }
0x5b: {  	_ =	swait.ge @!p0 [sflag:s11], $0x4000  }
0x5c: {  	[sflag:s11] =	ssyncset.done @!p0 $0x0  }
0x5d: {  	[sflag:s11] =	ssyncadd.s32 @!p0 $0xFFFFC000;
	s11 =	sadd.s32 @!p0 $0x400, s12  }
0x5e: {  	[tilespmem:s16], [sflag:$0x4] =	stream.indirect.gather @!p0 [hbm4b:s2+s17], $0x80, s11, s17, $0xb8;
	[tilespmem:$0x15C00] =	vst v63  }
.Ltmp2:
0x5f: {  	_ = 	snop;
	(pc) =	sbr.rel @p0 .LBB2_4-.Ltmp2, $4  }
0x60: {  	_ =	swait.ge [sflag:s25], $0x4000  }
0x61: {  	[sflag:s25] =	ssyncset.done $0x0  }
0x62: {  	s20 =	sadd.s32 $0x40000, s9;
	[sflag:s25] =	ssyncadd.s32 $0xFFFFC000  }
0x63: {  	[hbm4b:s20+s3] =	stream.linear.scatter [tilespmem:s22], [sflag:$0xA], $0x4000, $0x38;
	[tilespmem:$0x15C00] =	vst v63  }
.Ltmp3:
0x64: {  	(pc) =	sbr.rel .LBB2_2-.Ltmp3, $4  }
0x65: {  	_ =	swait.ge [sflag:s31], $0x4000  }
0x66: {  	s11 =	sshra.s32 s10, $0x2;
	s10 =	sadd.s32 $0xA00, s10;
	[sflag:s31] =	ssyncset.done $0x0  }
0x67: {  	s9 =	sadd.s32 $0x50000, s9;
	s11 =	sadd.s32 $0x480, s11;
	[sflag:s31] =	ssyncadd.s32 $0xFFFFC000  }
0x68: {  	[tilespmem:s22], [sflag:$0x5] =	stream.indirect.gather [hbm4b:s2+s14], $0x80, s11, s14, $0xb8;
	[tilespmem:$0x15C00] =	vst v63  }
.LBB2_5:
0x69: {  	_ =	sfence.sel $0x180000  }
0x6a: {  	[bflag:$0x0] =	sbarrier.arrive $0xFFFF  }
0x6b: {  	_ =	strace $0x90000047  }
0x6c: {  	s0 =	stileid.u32;
	[bflag:$0x2] =	sbarrier.arrive $0xFFFF  }
0x6d: {  	p0 =	sne.s32 s0, $0x0;
	s0 =	rddreg [dreg:$0x3]  }
0x6e: {  	s0 =	sadd.s32 @!p0 $0x100000, s0  }
0x6f: {  	[sflag:s0] =	ssyncadd.tile.s32 @!p0 $0x1;
	_ =	shalt  }
.Lfunc_end2:
_tile_overlayer_lowered:
.L_overlay_start_2:
0x70: {  	(tag) =	ssettag $0x2  }
0x71: {  	s0 =	rddreg [dreg:$0x0];
	s2 =	stileid.u32  }
0x72: {  	s1 =	rddreg [dreg:$0x1];
	p0 =	sne.s32 s2, $0x0  }
0x73: {  	s3 =	rddreg [dreg:$0x2];
	[bflag:$0x3] =	sbarrier.arrive $0xFFFF;
	s2 =	simm.s32 @!p0 $0x1C0B  }
0x74: {  	[timem:s3], [sflag:s2] =	dma.local @!p0 [hbm:s0], s1  }
0x75: {  	s0 =	simm.s32 @!p0 $0xB  }
0x76: {  	_ =	swait.ge @!p0 [sflag:s0], s1  }
0x77: {  	s1 =	ssub.s32 @!p0 $0x0, s1;
	[sflag:s0] =	ssyncset.done @!p0 $0x0  }
0x78: {  	[sflag:s0] =	ssyncadd.s32 @!p0 s1  }
0x79: {  	[bflag:$0x3] =	sbarrier.arrive $0xFFFF  }
0x7a: {  	_ =	shalt  }

</sc_bundles>
